<compile_context>
chip_gen: v7x
topology: tpu7x:2x2x1
jax: 0.10.2.dev20260603
libtpu: 0.0.44.dev20260713+nightly
codegen_flags: <defaults>
</compile_context>

<pallas_src>
import functools

import jax
import jax.numpy as jnp
from jax import lax
from jax.experimental import pallas as pl
from jax.experimental.pallas import tpu as pltpu
from jax.experimental.pallas import tpu_sc as plsc

N_TOKENS = 1000002
EMB_DIM = 64
PAD_DIM = 128
BATCH = 4096
HIST_LEN = 200

_INFO = plsc.get_sparse_core_info()
_NC = _INFO.num_cores
_NS = _INFO.num_subcores
_NW = _NC * _NS

_N = BATCH * HIST_LEN
_B_PER_W = _N // _NW
_CHUNK = 128
_NBUF = 4
_N_CHUNKS = _B_PER_W // _CHUNK
_N_GROUPS = _N_CHUNKS // _NBUF


@jax.jit
def _gather_sc(x_2d, table_p):
    mesh = plsc.VectorSubcoreMesh(core_axis_name="c", subcore_axis_name="s")

    @functools.partial(
        pl.kernel,
        mesh=mesh,
        out_type=jax.ShapeDtypeStruct((_N, PAD_DIM), jnp.float32),
        scratch_types=[
            pltpu.VMEM((_N_CHUNKS, _CHUNK), jnp.int32),
            pltpu.VMEM((_NBUF, _CHUNK, EMB_DIM), jnp.float32),
            pltpu.SemaphoreType.DMA((_NBUF,)),
            pltpu.SemaphoreType.DMA((_NBUF,)),
        ],
        compiler_params=pltpu.CompilerParams(use_tc_tiling_on_sc=False),
    )
    def k(x_hbm, table_hbm, out_hbm, idx_v, rows_v, gsem, ssem):
        wid = lax.axis_index("s") * _NC + lax.axis_index("c")
        base = wid * _B_PER_W
        pltpu.sync_copy(
            x_hbm.at[pl.ds(wid * _N_CHUNKS, _N_CHUNKS), :], idx_v
        )

        def group(g, carry):
            for b in range(_NBUF):
                i = g * _NBUF + b

                @pl.when(g > 0)
                def _wait_store():
                    pltpu.make_async_copy(
                        rows_v.at[b],
                        out_hbm.at[pl.ds(base, _CHUNK), pl.ds(0, EMB_DIM)],
                        ssem.at[b],
                    ).wait()

                pltpu.make_async_copy(
                    table_hbm.at[idx_v.at[i]],
                    rows_v.at[b],
                    gsem.at[b],
                ).start()
            for b in range(_NBUF):
                i = g * _NBUF + b
                start = base + i * _CHUNK
                pltpu.make_async_copy(
                    table_hbm.at[idx_v.at[i]],
                    rows_v.at[b],
                    gsem.at[b],
                ).wait()
                pltpu.make_async_copy(
                    rows_v.at[b],
                    out_hbm.at[pl.ds(start, _CHUNK), pl.ds(0, EMB_DIM)],
                    ssem.at[b],
                ).start()
            return carry

        lax.fori_loop(0, _N_GROUPS, group, 0)
        for b in range(_NBUF):
            pltpu.make_async_copy(
                rows_v.at[b],
                out_hbm.at[pl.ds(base, _CHUNK), pl.ds(0, EMB_DIM)],
                ssem.at[b],
            ).wait()

    return k(x_2d, table_p)


def kernel(x, embedding_weight):
    x_2d = (x.astype(jnp.int32) * 2).reshape(_N // _CHUNK, _CHUNK)
    table_p = jnp.pad(
        embedding_weight, ((0, 0), (0, PAD_DIM - EMB_DIM))
    ).reshape(2 * N_TOKENS, EMB_DIM)
    out_p = _gather_sc(x_2d, table_p)
    return out_p[:, :EMB_DIM].reshape(BATCH, HIST_LEN, EMB_DIM)

# --- scband reference (transcript-rebuilt; emitter-appended) ---
"""Pipeline reference for scband-base-embedding-representer-43447889167058 (READ-ONLY COPY).

The authoritative reference and input builder live on the scoring server;
editing this copy changes nothing except your own understanding.
"""

import jax, jax.numpy as jnp
import numpy as np

N_TOKENS = 1000002  # data_manager.n_tracks + 2 with n_tracks = 1,000,000
EMB_DIM = 64
BATCH = 4096
HIST_LEN = 200


def setup_inputs(seed: int = 0) -> dict:
    key = jax.random.key(seed)
    k_idx, k_tab = jax.random.split(key)
    x = jax.random.randint(k_idx, (BATCH, HIST_LEN), 0, N_TOKENS, dtype=jnp.int64)
    # main song embedding table (the only one touched by forward); row 0 is padding-like zero init originally,
    # but the table is trainable (freeze=False), so we materialize it as a dense learned parameter.
    embedding_weight = jax.random.normal(k_tab, (N_TOKENS, EMB_DIM), dtype=jnp.float32) * 0.02
    return {"x": x, "embedding_weight": embedding_weight}


def reference(x, embedding_weight):
    # forward(x) = self.embedding(x) : plain embedding lookup (gather)
    return jnp.take(embedding_weight, x, axis=0)

if __name__ == "__main__":
    import jax
    _d = setup_inputs()
    print(jax.jit(kernel)(*tuple(_d.values())))

</pallas_src>

<mosaic_0001>
#map = affine_map<(d0, d1) -> (0, 0)>
module attributes {stable_mosaic.version = 14 : i64} {
  func.func @k(%arg0: i32, %arg1: i32, %arg2: memref<6400x128xi32, #tpu.memory_space<hbm>>, %arg3: memref<2000004x64xf32, #tpu.memory_space<hbm>>, %arg4: memref<819200x128xf32, #tpu.memory_space<hbm>>, %arg5: memref<200x128xi32, #tpu.memory_space<vmem>>, %arg6: memref<4x128x64xf32, #tpu.memory_space<vmem>>, %arg7: memref<4x!tpu.dma_semaphore, #tpu.memory_space<semaphore_mem>>, %arg8: memref<4x!tpu.dma_semaphore, #tpu.memory_space<semaphore_mem>>) attributes {dimension_semantics = [#tpu.dimension_semantics<core_parallel>, #tpu.dimension_semantics<subcore_parallel>], iteration_bounds = array<i64: 2, 16>, scalar_prefetch = 0 : i64, scratch_operands = 4 : i64, tpu.core_type = #tpu.core_type<sc_vector_subcore>, window_params = [{transform_indices = #map}, {transform_indices = #map}, {transform_indices = #map}]} {
    %mul3A = arith.constant 2 : i32
    %mul3A_0 = arith.muli %arg1, %mul3A : i32
    %add3A = arith.addi %mul3A_0, %arg0 : i32
    %mul3A_1 = arith.constant 25600 : i32
    %mul3A_2 = arith.muli %add3A, %mul3A_1 : i32
    %mul3A_3 = arith.constant 200 : i32
    %mul3A_4 = arith.muli %add3A, %mul3A_3 : i32
    "tpu.region"() ({
      %run_scoped3A = tpu.sem_alloc : memref<!tpu.dma_semaphore, #tpu.memory_space<semaphore_mem>>
      %dma_start3A = arith.constant 0 : i32
      %dma_start3A_73 = tpu.memref_slice %arg2[%mul3A_4, %dma_start3A] : memref<6400x128xi32, #tpu.memory_space<hbm>> -> memref<200x128xi32, #tpu.memory_space<hbm>>
      %dma_start3A_74 = arith.constant 0 : i32
      %dma_start3A_75 = tpu.memref_slice %arg2[%mul3A_4, %dma_start3A_74] : memref<6400x128xi32, #tpu.memory_space<hbm>> -> memref<200x128xi32, #tpu.memory_space<hbm>>
      tpu.enqueue_dma source(%dma_start3A_75 : memref<200x128xi32, #tpu.memory_space<hbm>>) target(%arg5 : memref<200x128xi32, #tpu.memory_space<vmem>>) target_semaphore(%run_scoped3A : memref<!tpu.dma_semaphore, #tpu.memory_space<semaphore_mem>>)
      %dma_wait3A_76 = arith.constant 0 : i32
      %dma_wait3A_77 = tpu.memref_slice %arg2[%mul3A_4, %dma_wait3A_76] : memref<6400x128xi32, #tpu.memory_space<hbm>> -> memref<200x128xi32, #tpu.memory_space<hbm>>
      %dma_wait3A_78 = arith.constant 0 : i32
      %dma_wait3A_79 = tpu.memref_slice %arg2[%mul3A_4, %dma_wait3A_78] : memref<6400x128xi32, #tpu.memory_space<hbm>> -> memref<200x128xi32, #tpu.memory_space<hbm>>
      tpu.wait_dma2 semaphore(%run_scoped3A : memref<!tpu.dma_semaphore, #tpu.memory_space<semaphore_mem>>) src(%dma_wait3A_79 : memref<200x128xi32, #tpu.memory_space<hbm>>) dst(%arg5 : memref<200x128xi32, #tpu.memory_space<vmem>>)
      tpu.yield
    }) : () -> ()
    %scan3A = arith.constant 0 : i32
    %scan3A_5 = arith.constant 0 : i32
    %scan3A_6 = arith.constant 50 : i32
    %scan3A_7 = arith.addi %scan3A_5, %scan3A_6 : i32
    %scan3A_8 = arith.constant 1 : i32
    scf.for %scan3A_73 = %scan3A_5 to %scan3A_7 step %scan3A_8  : i32 {
      %mul3A_74 = arith.constant 4 : i32
      %mul3A_75 = arith.muli %scan3A_73, %mul3A_74 : i32
      %add3A_76 = arith.constant 0 : i32
      %add3A_77 = arith.addi %mul3A_75, %add3A_76 : i32
      %gt3A = arith.constant 0 : i32
      %gt3A_78 = arith.cmpi sgt, %scan3A_73, %gt3A : i32
      %convert_element_type3A = arith.extui %gt3A_78 : i1 to i32
      %cond3A = arith.constant 0 : i32
      %cond3A_79 = arith.cmpi ne, %convert_element_type3A, %cond3A : i32
      scf.if %cond3A_79 {
        %dma_wait3A_310 = arith.constant 0 : i32
        %dma_wait3A_311 = arith.constant 0 : i32
        %dma_wait3A_312 = arith.constant 0 : i32
        %dma_wait3A_313 = arith.constant 0 : i32
        %dma_wait3A_314 = tpu.memref_slice %arg6[%dma_wait3A_310, %dma_wait3A_312, %dma_wait3A_313] : memref<4x128x64xf32, #tpu.memory_space<vmem>> -> memref<1x128x64xf32, #tpu.memory_space<vmem>>
        %dma_wait3A_315 = tpu.memref_squeeze %dma_wait3A_314 : memref<1x128x64xf32, #tpu.memory_space<vmem>> -> memref<128x64xf32, #tpu.memory_space<vmem>>
        %dma_wait3A_316 = arith.constant 0 : i32
        %dma_wait3A_317 = tpu.memref_slice %arg4[%mul3A_2, %dma_wait3A_316] : memref<819200x128xf32, #tpu.memory_space<hbm>> -> memref<128x64xf32, #tpu.memory_space<hbm>>
        %dma_wait3A_318 = tpu.memref_slice %arg8[%dma_wait3A_311] : memref<4x!tpu.dma_semaphore, #tpu.memory_space<semaphore_mem>> -> memref<1x!tpu.dma_semaphore, #tpu.memory_space<semaphore_mem>>
        %dma_wait3A_319 = tpu.memref_squeeze %dma_wait3A_318 : memref<1x!tpu.dma_semaphore, #tpu.memory_space<semaphore_mem>> -> memref<!tpu.dma_semaphore, #tpu.memory_space<semaphore_mem>>
        %dma_wait3A_320 = arith.constant 0 : i32
        %dma_wait3A_321 = tpu.memref_slice %arg4[%mul3A_2, %dma_wait3A_320] : memref<819200x128xf32, #tpu.memory_space<hbm>> -> memref<128x64xf32, #tpu.memory_space<hbm>>
        %dma_wait3A_322 = arith.constant 0 : i32
        %dma_wait3A_323 = arith.constant 0 : i32
        %dma_wait3A_324 = tpu.memref_slice %arg6[%dma_wait3A_310, %dma_wait3A_322, %dma_wait3A_323] : memref<4x128x64xf32, #tpu.memory_space<vmem>> -> memref<1x128x64xf32, #tpu.memory_space<vmem>>
        %dma_wait3A_325 = tpu.memref_squeeze %dma_wait3A_324 : memref<1x128x64xf32, #tpu.memory_space<vmem>> -> memref<128x64xf32, #tpu.memory_space<vmem>>
        tpu.wait_dma2 semaphore(%dma_wait3A_319 : memref<!tpu.dma_semaphore, #tpu.memory_space<semaphore_mem>>) src(%dma_wait3A_325 : memref<128x64xf32, #tpu.memory_space<vmem>>) dst(%dma_wait3A_321 : memref<128x64xf32, #tpu.memory_space<hbm>>)
      } else {
      }
      %dma_start3A = arith.constant 0 : i32
      %dma_start3A_80 = arith.constant 0 : i32
      %dma_start3A_81 = arith.constant 0 : i32
      %dma_start3A_82 = arith.constant 0 : i32
      %dma_start3A_83 = tpu.memref_slice %arg6[%dma_start3A, %dma_start3A_81, %dma_start3A_82] : memref<4x128x64xf32, #tpu.memory_space<vmem>> -> memref<1x128x64xf32, #tpu.memory_space<vmem>>
      %dma_start3A_84 = tpu.memref_squeeze %dma_start3A_83 : memref<1x128x64xf32, #tpu.memory_space<vmem>> -> memref<128x64xf32, #tpu.memory_space<vmem>>
      %dma_start3A_85 = arith.constant 0 : i32
      %dma_start3A_86 = tpu.memref_slice %arg5[%add3A_77, %dma_start3A_85] : memref<200x128xi32, #tpu.memory_space<vmem>> -> memref<1x128xi32, #tpu.memory_space<vmem>>
      %dma_start3A_87 = tpu.memref_squeeze %dma_start3A_86 : memref<1x128xi32, #tpu.memory_space<vmem>> -> memref<128xi32, #tpu.memory_space<vmem>>
      %dma_start3A_88 = arith.constant 0 : i32
      %dma_start3A_89 = arith.constant 0 : i32
      %dma_start3A_90 = tpu.memref_slice %arg3[%dma_start3A_88, %dma_start3A_89] : memref<2000004x64xf32, #tpu.memory_space<hbm>> -> memref<2000004x64xf32, #tpu.memory_space<hbm>>
      %dma_start3A_91 = tpu.memref_slice %arg7[%dma_start3A_80] : memref<4x!tpu.dma_semaphore, #tpu.memory_space<semaphore_mem>> -> memref<1x!tpu.dma_semaphore, #tpu.memory_space<semaphore_mem>>
      %dma_start3A_92 = tpu.memref_squeeze %dma_start3A_91 : memref<1x!tpu.dma_semaphore, #tpu.memory_space<semaphore_mem>> -> memref<!tpu.dma_semaphore, #tpu.memory_space<semaphore_mem>>
      tpu.enqueue_indirect_dma source(%dma_start3A_90 : memref<2000004x64xf32, #tpu.memory_space<hbm>>) target(%dma_start3A_84 : memref<128x64xf32, #tpu.memory_space<vmem>>) offsets(%dma_start3A_87 : memref<128xi32, #tpu.memory_space<vmem>>) semaphore(%dma_start3A_92 : memref<!tpu.dma_semaphore, #tpu.memory_space<semaphore_mem>>)
      %mul3A_93 = arith.constant 4 : i32
      %mul3A_94 = arith.muli %scan3A_73, %mul3A_93 : i32
      %add3A_95 = arith.constant 1 : i32
      %add3A_96 = arith.addi %mul3A_94, %add3A_95 : i32
      %gt3A_97 = arith.constant 0 : i32
      %gt3A_98 = arith.cmpi sgt, %scan3A_73, %gt3A_97 : i32
      %convert_element_type3A_99 = arith.extui %gt3A_98 : i1 to i32
      %cond3A_100 = arith.constant 0 : i32
      %cond3A_101 = arith.cmpi ne, %convert_element_type3A_99, %cond3A_100 : i32
      scf.if %cond3A_101 {
        %dma_wait3A_310 = arith.constant 1 : i32
        %dma_wait3A_311 = arith.constant 1 : i32
        %dma_wait3A_312 = arith.constant 0 : i32
        %dma_wait3A_313 = arith.constant 0 : i32
        %dma_wait3A_314 = tpu.memref_slice %arg6[%dma_wait3A_310, %dma_wait3A_312, %dma_wait3A_313] : memref<4x128x64xf32, #tpu.memory_space<vmem>> -> memref<1x128x64xf32, #tpu.memory_space<vmem>>
        %dma_wait3A_315 = tpu.memref_squeeze %dma_wait3A_314 : memref<1x128x64xf32, #tpu.memory_space<vmem>> -> memref<128x64xf32, #tpu.memory_space<vmem>>
        %dma_wait3A_316 = arith.constant 0 : i32
        %dma_wait3A_317 = tpu.memref_slice %arg4[%mul3A_2, %dma_wait3A_316] : memref<819200x128xf32, #tpu.memory_space<hbm>> -> memref<128x64xf32, #tpu.memory_space<hbm>>
        %dma_wait3A_318 = tpu.memref_slice %arg8[%dma_wait3A_311] : memref<4x!tpu.dma_semaphore, #tpu.memory_space<semaphore_mem>> -> memref<1x!tpu.dma_semaphore, #tpu.memory_space<semaphore_mem>>
        %dma_wait3A_319 = tpu.memref_squeeze %dma_wait3A_318 : memref<1x!tpu.dma_semaphore, #tpu.memory_space<semaphore_mem>> -> memref<!tpu.dma_semaphore, #tpu.memory_space<semaphore_mem>>
        %dma_wait3A_320 = arith.constant 0 : i32
        %dma_wait3A_321 = tpu.memref_slice %arg4[%mul3A_2, %dma_wait3A_320] : memref<819200x128xf32, #tpu.memory_space<hbm>> -> memref<128x64xf32, #tpu.memory_space<hbm>>
        %dma_wait3A_322 = arith.constant 0 : i32
        %dma_wait3A_323 = arith.constant 0 : i32
        %dma_wait3A_324 = tpu.memref_slice %arg6[%dma_wait3A_310, %dma_wait3A_322, %dma_wait3A_323] : memref<4x128x64xf32, #tpu.memory_space<vmem>> -> memref<1x128x64xf32, #tpu.memory_space<vmem>>
        %dma_wait3A_325 = tpu.memref_squeeze %dma_wait3A_324 : memref<1x128x64xf32, #tpu.memory_space<vmem>> -> memref<128x64xf32, #tpu.memory_space<vmem>>
        tpu.wait_dma2 semaphore(%dma_wait3A_319 : memref<!tpu.dma_semaphore, #tpu.memory_space<semaphore_mem>>) src(%dma_wait3A_325 : memref<128x64xf32, #tpu.memory_space<vmem>>) dst(%dma_wait3A_321 : memref<128x64xf32, #tpu.memory_space<hbm>>)
      } else {
      }
      %dma_start3A_102 = arith.constant 1 : i32
      %dma_start3A_103 = arith.constant 1 : i32
      %dma_start3A_104 = arith.constant 0 : i32
      %dma_start3A_105 = arith.constant 0 : i32
      %dma_start3A_106 = tpu.memref_slice %arg6[%dma_start3A_102, %dma_start3A_104, %dma_start3A_105] : memref<4x128x64xf32, #tpu.memory_space<vmem>> -> memref<1x128x64xf32, #tpu.memory_space<vmem>>
      %dma_start3A_107 = tpu.memref_squeeze %dma_start3A_106 : memref<1x128x64xf32, #tpu.memory_space<vmem>> -> memref<128x64xf32, #tpu.memory_space<vmem>>
      %dma_start3A_108 = arith.constant 0 : i32
      %dma_start3A_109 = tpu.memref_slice %arg5[%add3A_96, %dma_start3A_108] : memref<200x128xi32, #tpu.memory_space<vmem>> -> memref<1x128xi32, #tpu.memory_space<vmem>>
      %dma_start3A_110 = tpu.memref_squeeze %dma_start3A_109 : memref<1x128xi32, #tpu.memory_space<vmem>> -> memref<128xi32, #tpu.memory_space<vmem>>
      %dma_start3A_111 = arith.constant 0 : i32
      %dma_start3A_112 = arith.constant 0 : i32
      %dma_start3A_113 = tpu.memref_slice %arg3[%dma_start3A_111, %dma_start3A_112] : memref<2000004x64xf32, #tpu.memory_space<hbm>> -> memref<2000004x64xf32, #tpu.memory_space<hbm>>
      %dma_start3A_114 = tpu.memref_slice %arg7[%dma_start3A_103] : memref<4x!tpu.dma_semaphore, #tpu.memory_space<semaphore_mem>> -> memref<1x!tpu.dma_semaphore, #tpu.memory_space<semaphore_mem>>
      %dma_start3A_115 = tpu.memref_squeeze %dma_start3A_114 : memref<1x!tpu.dma_semaphore, #tpu.memory_space<semaphore_mem>> -> memref<!tpu.dma_semaphore, #tpu.memory_space<semaphore_mem>>
      tpu.enqueue_indirect_dma source(%dma_start3A_113 : memref<2000004x64xf32, #tpu.memory_space<hbm>>) target(%dma_start3A_107 : memref<128x64xf32, #tpu.memory_space<vmem>>) offsets(%dma_start3A_110 : memref<128xi32, #tpu.memory_space<vmem>>) semaphore(%dma_start3A_115 : memref<!tpu.dma_semaphore, #tpu.memory_space<semaphore_mem>>)
      %mul3A_116 = arith.constant 4 : i32
      %mul3A_117 = arith.muli %scan3A_73, %mul3A_116 : i32
      %add3A_118 = arith.constant 2 : i32
      %add3A_119 = arith.addi %mul3A_117, %add3A_118 : i32
      %gt3A_120 = arith.constant 0 : i32
      %gt3A_121 = arith.cmpi sgt, %scan3A_73, %gt3A_120 : i32
      %convert_element_type3A_122 = arith.extui %gt3A_121 : i1 to i32
      %cond3A_123 = arith.constant 0 : i32
      %cond3A_124 = arith.cmpi ne, %convert_element_type3A_122, %cond3A_123 : i32
      scf.if %cond3A_124 {
        %dma_wait3A_310 = arith.constant 2 : i32
        %dma_wait3A_311 = arith.constant 2 : i32
        %dma_wait3A_312 = arith.constant 0 : i32
        %dma_wait3A_313 = arith.constant 0 : i32
        %dma_wait3A_314 = tpu.memref_slice %arg6[%dma_wait3A_310, %dma_wait3A_312, %dma_wait3A_313] : memref<4x128x64xf32, #tpu.memory_space<vmem>> -> memref<1x128x64xf32, #tpu.memory_space<vmem>>
        %dma_wait3A_315 = tpu.memref_squeeze %dma_wait3A_314 : memref<1x128x64xf32, #tpu.memory_space<vmem>> -> memref<128x64xf32, #tpu.memory_space<vmem>>
        %dma_wait3A_316 = arith.constant 0 : i32
        %dma_wait3A_317 = tpu.memref_slice %arg4[%mul3A_2, %dma_wait3A_316] : memref<819200x128xf32, #tpu.memory_space<hbm>> -> memref<128x64xf32, #tpu.memory_space<hbm>>
        %dma_wait3A_318 = tpu.memref_slice %arg8[%dma_wait3A_311] : memref<4x!tpu.dma_semaphore, #tpu.memory_space<semaphore_mem>> -> memref<1x!tpu.dma_semaphore, #tpu.memory_space<semaphore_mem>>
        %dma_wait3A_319 = tpu.memref_squeeze %dma_wait3A_318 : memref<1x!tpu.dma_semaphore, #tpu.memory_space<semaphore_mem>> -> memref<!tpu.dma_semaphore, #tpu.memory_space<semaphore_mem>>
        %dma_wait3A_320 = arith.constant 0 : i32
        %dma_wait3A_321 = tpu.memref_slice %arg4[%mul3A_2, %dma_wait3A_320] : memref<819200x128xf32, #tpu.memory_space<hbm>> -> memref<128x64xf32, #tpu.memory_space<hbm>>
        %dma_wait3A_322 = arith.constant 0 : i32
        %dma_wait3A_323 = arith.constant 0 : i32
        %dma_wait3A_324 = tpu.memref_slice %arg6[%dma_wait3A_310, %dma_wait3A_322, %dma_wait3A_323] : memref<4x128x64xf32, #tpu.memory_space<vmem>> -> memref<1x128x64xf32, #tpu.memory_space<vmem>>
        %dma_wait3A_325 = tpu.memref_squeeze %dma_wait3A_324 : memref<1x128x64xf32, #tpu.memory_space<vmem>> -> memref<128x64xf32, #tpu.memory_space<vmem>>
        tpu.wait_dma2 semaphore(%dma_wait3A_319 : memref<!tpu.dma_semaphore, #tpu.memory_space<semaphore_mem>>) src(%dma_wait3A_325 : memref<128x64xf32, #tpu.memory_space<vmem>>) dst(%dma_wait3A_321 : memref<128x64xf32, #tpu.memory_space<hbm>>)
      } else {
      }
      %dma_start3A_125 = arith.constant 2 : i32
      %dma_start3A_126 = arith.constant 2 : i32
      %dma_start3A_127 = arith.constant 0 : i32
      %dma_start3A_128 = arith.constant 0 : i32
      %dma_start3A_129 = tpu.memref_slice %arg6[%dma_start3A_125, %dma_start3A_127, %dma_start3A_128] : memref<4x128x64xf32, #tpu.memory_space<vmem>> -> memref<1x128x64xf32, #tpu.memory_space<vmem>>
      %dma_start3A_130 = tpu.memref_squeeze %dma_start3A_129 : memref<1x128x64xf32, #tpu.memory_space<vmem>> -> memref<128x64xf32, #tpu.memory_space<vmem>>
      %dma_start3A_131 = arith.constant 0 : i32
      %dma_start3A_132 = tpu.memref_slice %arg5[%add3A_119, %dma_start3A_131] : memref<200x128xi32, #tpu.memory_space<vmem>> -> memref<1x128xi32, #tpu.memory_space<vmem>>
      %dma_start3A_133 = tpu.memref_squeeze %dma_start3A_132 : memref<1x128xi32, #tpu.memory_space<vmem>> -> memref<128xi32, #tpu.memory_space<vmem>>
      %dma_start3A_134 = arith.constant 0 : i32
      %dma_start3A_135 = arith.constant 0 : i32
      %dma_start3A_136 = tpu.memref_slice %arg3[%dma_start3A_134, %dma_start3A_135] : memref<2000004x64xf32, #tpu.memory_space<hbm>> -> memref<2000004x64xf32, #tpu.memory_space<hbm>>
      %dma_start3A_137 = tpu.memref_slice %arg7[%dma_start3A_126] : memref<4x!tpu.dma_semaphore, #tpu.memory_space<semaphore_mem>> -> memref<1x!tpu.dma_semaphore, #tpu.memory_space<semaphore_mem>>
      %dma_start3A_138 = tpu.memref_squeeze %dma_start3A_137 : memref<1x!tpu.dma_semaphore, #tpu.memory_space<semaphore_mem>> -> memref<!tpu.dma_semaphore, #tpu.memory_space<semaphore_mem>>
      tpu.enqueue_indirect_dma source(%dma_start3A_136 : memref<2000004x64xf32, #tpu.memory_space<hbm>>) target(%dma_start3A_130 : memref<128x64xf32, #tpu.memory_space<vmem>>) offsets(%dma_start3A_133 : memref<128xi32, #tpu.memory_space<vmem>>) semaphore(%dma_start3A_138 : memref<!tpu.dma_semaphore, #tpu.memory_space<semaphore_mem>>)
      %mul3A_139 = arith.constant 4 : i32
      %mul3A_140 = arith.muli %scan3A_73, %mul3A_139 : i32
      %add3A_141 = arith.constant 3 : i32
      %add3A_142 = arith.addi %mul3A_140, %add3A_141 : i32
      %gt3A_143 = arith.constant 0 : i32
      %gt3A_144 = arith.cmpi sgt, %scan3A_73, %gt3A_143 : i32
      %convert_element_type3A_145 = arith.extui %gt3A_144 : i1 to i32
      %cond3A_146 = arith.constant 0 : i32
      %cond3A_147 = arith.cmpi ne, %convert_element_type3A_145, %cond3A_146 : i32
      scf.if %cond3A_147 {
        %dma_wait3A_310 = arith.constant 3 : i32
        %dma_wait3A_311 = arith.constant 3 : i32
        %dma_wait3A_312 = arith.constant 0 : i32
        %dma_wait3A_313 = arith.constant 0 : i32
        %dma_wait3A_314 = tpu.memref_slice %arg6[%dma_wait3A_310, %dma_wait3A_312, %dma_wait3A_313] : memref<4x128x64xf32, #tpu.memory_space<vmem>> -> memref<1x128x64xf32, #tpu.memory_space<vmem>>
        %dma_wait3A_315 = tpu.memref_squeeze %dma_wait3A_314 : memref<1x128x64xf32, #tpu.memory_space<vmem>> -> memref<128x64xf32, #tpu.memory_space<vmem>>
        %dma_wait3A_316 = arith.constant 0 : i32
        %dma_wait3A_317 = tpu.memref_slice %arg4[%mul3A_2, %dma_wait3A_316] : memref<819200x128xf32, #tpu.memory_space<hbm>> -> memref<128x64xf32, #tpu.memory_space<hbm>>
        %dma_wait3A_318 = tpu.memref_slice %arg8[%dma_wait3A_311] : memref<4x!tpu.dma_semaphore, #tpu.memory_space<semaphore_mem>> -> memref<1x!tpu.dma_semaphore, #tpu.memory_space<semaphore_mem>>
        %dma_wait3A_319 = tpu.memref_squeeze %dma_wait3A_318 : memref<1x!tpu.dma_semaphore, #tpu.memory_space<semaphore_mem>> -> memref<!tpu.dma_semaphore, #tpu.memory_space<semaphore_mem>>
        %dma_wait3A_320 = arith.constant 0 : i32
        %dma_wait3A_321 = tpu.memref_slice %arg4[%mul3A_2, %dma_wait3A_320] : memref<819200x128xf32, #tpu.memory_space<hbm>> -> memref<128x64xf32, #tpu.memory_space<hbm>>
        %dma_wait3A_322 = arith.constant 0 : i32
        %dma_wait3A_323 = arith.constant 0 : i32
        %dma_wait3A_324 = tpu.memref_slice %arg6[%dma_wait3A_310, %dma_wait3A_322, %dma_wait3A_323] : memref<4x128x64xf32, #tpu.memory_space<vmem>> -> memref<1x128x64xf32, #tpu.memory_space<vmem>>
        %dma_wait3A_325 = tpu.memref_squeeze %dma_wait3A_324 : memref<1x128x64xf32, #tpu.memory_space<vmem>> -> memref<128x64xf32, #tpu.memory_space<vmem>>
        tpu.wait_dma2 semaphore(%dma_wait3A_319 : memref<!tpu.dma_semaphore, #tpu.memory_space<semaphore_mem>>) src(%dma_wait3A_325 : memref<128x64xf32, #tpu.memory_space<vmem>>) dst(%dma_wait3A_321 : memref<128x64xf32, #tpu.memory_space<hbm>>)
      } else {
      }
      %dma_start3A_148 = arith.constant 3 : i32
      %dma_start3A_149 = arith.constant 3 : i32
      %dma_start3A_150 = arith.constant 0 : i32
      %dma_start3A_151 = arith.constant 0 : i32
      %dma_start3A_152 = tpu.memref_slice %arg6[%dma_start3A_148, %dma_start3A_150, %dma_start3A_151] : memref<4x128x64xf32, #tpu.memory_space<vmem>> -> memref<1x128x64xf32, #tpu.memory_space<vmem>>
      %dma_start3A_153 = tpu.memref_squeeze %dma_start3A_152 : memref<1x128x64xf32, #tpu.memory_space<vmem>> -> memref<128x64xf32, #tpu.memory_space<vmem>>
      %dma_start3A_154 = arith.constant 0 : i32
      %dma_start3A_155 = tpu.memref_slice %arg5[%add3A_142, %dma_start3A_154] : memref<200x128xi32, #tpu.memory_space<vmem>> -> memref<1x128xi32, #tpu.memory_space<vmem>>
      %dma_start3A_156 = tpu.memref_squeeze %dma_start3A_155 : memref<1x128xi32, #tpu.memory_space<vmem>> -> memref<128xi32, #tpu.memory_space<vmem>>
      %dma_start3A_157 = arith.constant 0 : i32
      %dma_start3A_158 = arith.constant 0 : i32
      %dma_start3A_159 = tpu.memref_slice %arg3[%dma_start3A_157, %dma_start3A_158] : memref<2000004x64xf32, #tpu.memory_space<hbm>> -> memref<2000004x64xf32, #tpu.memory_space<hbm>>
      %dma_start3A_160 = tpu.memref_slice %arg7[%dma_start3A_149] : memref<4x!tpu.dma_semaphore, #tpu.memory_space<semaphore_mem>> -> memref<1x!tpu.dma_semaphore, #tpu.memory_space<semaphore_mem>>
      %dma_start3A_161 = tpu.memref_squeeze %dma_start3A_160 : memref<1x!tpu.dma_semaphore, #tpu.memory_space<semaphore_mem>> -> memref<!tpu.dma_semaphore, #tpu.memory_space<semaphore_mem>>
      tpu.enqueue_indirect_dma source(%dma_start3A_159 : memref<2000004x64xf32, #tpu.memory_space<hbm>>) target(%dma_start3A_153 : memref<128x64xf32, #tpu.memory_space<vmem>>) offsets(%dma_start3A_156 : memref<128xi32, #tpu.memory_space<vmem>>) semaphore(%dma_start3A_161 : memref<!tpu.dma_semaphore, #tpu.memory_space<semaphore_mem>>)
      %mul3A_162 = arith.constant 4 : i32
      %mul3A_163 = arith.muli %scan3A_73, %mul3A_162 : i32
      %add3A_164 = arith.constant 0 : i32
      %add3A_165 = arith.addi %mul3A_163, %add3A_164 : i32
      %mul3A_166 = arith.constant 128 : i32
      %mul3A_167 = arith.muli %add3A_165, %mul3A_166 : i32
      %add3A_168 = arith.addi %mul3A_2, %mul3A_167 : i32
      %dma_wait3A_169 = arith.constant 0 : i32
      %dma_wait3A_170 = arith.constant 0 : i32
      %dma_wait3A_171 = arith.constant 0 : i32
      %dma_wait3A_172 = arith.constant 0 : i32
      %dma_wait3A_173 = tpu.memref_slice %arg6[%dma_wait3A_169, %dma_wait3A_171, %dma_wait3A_172] : memref<4x128x64xf32, #tpu.memory_space<vmem>> -> memref<1x128x64xf32, #tpu.memory_space<vmem>>
      %dma_wait3A_174 = tpu.memref_squeeze %dma_wait3A_173 : memref<1x128x64xf32, #tpu.memory_space<vmem>> -> memref<128x64xf32, #tpu.memory_space<vmem>>
      %dma_wait3A_175 = arith.constant 0 : i32
      %dma_wait3A_176 = tpu.memref_slice %arg5[%add3A_165, %dma_wait3A_175] : memref<200x128xi32, #tpu.memory_space<vmem>> -> memref<1x128xi32, #tpu.memory_space<vmem>>
      %dma_wait3A_177 = tpu.memref_squeeze %dma_wait3A_176 : memref<1x128xi32, #tpu.memory_space<vmem>> -> memref<128xi32, #tpu.memory_space<vmem>>
      %dma_wait3A_178 = arith.constant 0 : i32
      %dma_wait3A_179 = arith.constant 0 : i32
      %dma_wait3A_180 = tpu.memref_slice %arg3[%dma_wait3A_178, %dma_wait3A_179] : memref<2000004x64xf32, #tpu.memory_space<hbm>> -> memref<2000004x64xf32, #tpu.memory_space<hbm>>
      %dma_wait3A_181 = tpu.memref_slice %arg7[%dma_wait3A_170] : memref<4x!tpu.dma_semaphore, #tpu.memory_space<semaphore_mem>> -> memref<1x!tpu.dma_semaphore, #tpu.memory_space<semaphore_mem>>
      %dma_wait3A_182 = tpu.memref_squeeze %dma_wait3A_181 : memref<1x!tpu.dma_semaphore, #tpu.memory_space<semaphore_mem>> -> memref<!tpu.dma_semaphore, #tpu.memory_space<semaphore_mem>>
      tpu.wait_indirect_dma semaphore(%dma_wait3A_182 : memref<!tpu.dma_semaphore, #tpu.memory_space<semaphore_mem>>) src(%dma_wait3A_180 : memref<2000004x64xf32, #tpu.memory_space<hbm>>) dst(%dma_wait3A_174 : memref<128x64xf32, #tpu.memory_space<vmem>>)
      %dma_start3A_183 = arith.constant 0 : i32
      %dma_start3A_184 = arith.constant 0 : i32
      %dma_start3A_185 = arith.constant 0 : i32
      %dma_start3A_186 = arith.constant 0 : i32
      %dma_start3A_187 = tpu.memref_slice %arg6[%dma_start3A_183, %dma_start3A_185, %dma_start3A_186] : memref<4x128x64xf32, #tpu.memory_space<vmem>> -> memref<1x128x64xf32, #tpu.memory_space<vmem>>
      %dma_start3A_188 = tpu.memref_squeeze %dma_start3A_187 : memref<1x128x64xf32, #tpu.memory_space<vmem>> -> memref<128x64xf32, #tpu.memory_space<vmem>>
      %dma_start3A_189 = arith.constant 0 : i32
      %dma_start3A_190 = tpu.memref_slice %arg4[%add3A_168, %dma_start3A_189] : memref<819200x128xf32, #tpu.memory_space<hbm>> -> memref<128x64xf32, #tpu.memory_space<hbm>>
      %dma_start3A_191 = tpu.memref_slice %arg8[%dma_start3A_184] : memref<4x!tpu.dma_semaphore, #tpu.memory_space<semaphore_mem>> -> memref<1x!tpu.dma_semaphore, #tpu.memory_space<semaphore_mem>>
      %dma_start3A_192 = tpu.memref_squeeze %dma_start3A_191 : memref<1x!tpu.dma_semaphore, #tpu.memory_space<semaphore_mem>> -> memref<!tpu.dma_semaphore, #tpu.memory_space<semaphore_mem>>
      %dma_start3A_193 = arith.constant 0 : i32
      %dma_start3A_194 = tpu.memref_slice %arg4[%add3A_168, %dma_start3A_193] : memref<819200x128xf32, #tpu.memory_space<hbm>> -> memref<128x64xf32, #tpu.memory_space<hbm>>
      %dma_start3A_195 = arith.constant 0 : i32
      %dma_start3A_196 = arith.constant 0 : i32
      %dma_start3A_197 = tpu.memref_slice %arg6[%dma_start3A_183, %dma_start3A_195, %dma_start3A_196] : memref<4x128x64xf32, #tpu.memory_space<vmem>> -> memref<1x128x64xf32, #tpu.memory_space<vmem>>
      %dma_start3A_198 = tpu.memref_squeeze %dma_start3A_197 : memref<1x128x64xf32, #tpu.memory_space<vmem>> -> memref<128x64xf32, #tpu.memory_space<vmem>>
      tpu.enqueue_dma source(%dma_start3A_198 : memref<128x64xf32, #tpu.memory_space<vmem>>) target(%dma_start3A_194 : memref<128x64xf32, #tpu.memory_space<hbm>>) target_semaphore(%dma_start3A_192 : memref<!tpu.dma_semaphore, #tpu.memory_space<semaphore_mem>>)
      %mul3A_199 = arith.constant 4 : i32
      %mul3A_200 = arith.muli %scan3A_73, %mul3A_199 : i32
      %add3A_201 = arith.constant 1 : i32
      %add3A_202 = arith.addi %mul3A_200, %add3A_201 : i32
      %mul3A_203 = arith.constant 128 : i32
      %mul3A_204 = arith.muli %add3A_202, %mul3A_203 : i32
      %add3A_205 = arith.addi %mul3A_2, %mul3A_204 : i32
      %dma_wait3A_206 = arith.constant 1 : i32
      %dma_wait3A_207 = arith.constant 1 : i32
      %dma_wait3A_208 = arith.constant 0 : i32
      %dma_wait3A_209 = arith.constant 0 : i32
      %dma_wait3A_210 = tpu.memref_slice %arg6[%dma_wait3A_206, %dma_wait3A_208, %dma_wait3A_209] : memref<4x128x64xf32, #tpu.memory_space<vmem>> -> memref<1x128x64xf32, #tpu.memory_space<vmem>>
      %dma_wait3A_211 = tpu.memref_squeeze %dma_wait3A_210 : memref<1x128x64xf32, #tpu.memory_space<vmem>> -> memref<128x64xf32, #tpu.memory_space<vmem>>
      %dma_wait3A_212 = arith.constant 0 : i32
      %dma_wait3A_213 = tpu.memref_slice %arg5[%add3A_202, %dma_wait3A_212] : memref<200x128xi32, #tpu.memory_space<vmem>> -> memref<1x128xi32, #tpu.memory_space<vmem>>
      %dma_wait3A_214 = tpu.memref_squeeze %dma_wait3A_213 : memref<1x128xi32, #tpu.memory_space<vmem>> -> memref<128xi32, #tpu.memory_space<vmem>>
      %dma_wait3A_215 = arith.constant 0 : i32
      %dma_wait3A_216 = arith.constant 0 : i32
      %dma_wait3A_217 = tpu.memref_slice %arg3[%dma_wait3A_215, %dma_wait3A_216] : memref<2000004x64xf32, #tpu.memory_space<hbm>> -> memref<2000004x64xf32, #tpu.memory_space<hbm>>
      %dma_wait3A_218 = tpu.memref_slice %arg7[%dma_wait3A_207] : memref<4x!tpu.dma_semaphore, #tpu.memory_space<semaphore_mem>> -> memref<1x!tpu.dma_semaphore, #tpu.memory_space<semaphore_mem>>
      %dma_wait3A_219 = tpu.memref_squeeze %dma_wait3A_218 : memref<1x!tpu.dma_semaphore, #tpu.memory_space<semaphore_mem>> -> memref<!tpu.dma_semaphore, #tpu.memory_space<semaphore_mem>>
      tpu.wait_indirect_dma semaphore(%dma_wait3A_219 : memref<!tpu.dma_semaphore, #tpu.memory_space<semaphore_mem>>) src(%dma_wait3A_217 : memref<2000004x64xf32, #tpu.memory_space<hbm>>) dst(%dma_wait3A_211 : memref<128x64xf32, #tpu.memory_space<vmem>>)
      %dma_start3A_220 = arith.constant 1 : i32
      %dma_start3A_221 = arith.constant 1 : i32
      %dma_start3A_222 = arith.constant 0 : i32
      %dma_start3A_223 = arith.constant 0 : i32
      %dma_start3A_224 = tpu.memref_slice %arg6[%dma_start3A_220, %dma_start3A_222, %dma_start3A_223] : memref<4x128x64xf32, #tpu.memory_space<vmem>> -> memref<1x128x64xf32, #tpu.memory_space<vmem>>
      %dma_start3A_225 = tpu.memref_squeeze %dma_start3A_224 : memref<1x128x64xf32, #tpu.memory_space<vmem>> -> memref<128x64xf32, #tpu.memory_space<vmem>>
      %dma_start3A_226 = arith.constant 0 : i32
      %dma_start3A_227 = tpu.memref_slice %arg4[%add3A_205, %dma_start3A_226] : memref<819200x128xf32, #tpu.memory_space<hbm>> -> memref<128x64xf32, #tpu.memory_space<hbm>>
      %dma_start3A_228 = tpu.memref_slice %arg8[%dma_start3A_221] : memref<4x!tpu.dma_semaphore, #tpu.memory_space<semaphore_mem>> -> memref<1x!tpu.dma_semaphore, #tpu.memory_space<semaphore_mem>>
      %dma_start3A_229 = tpu.memref_squeeze %dma_start3A_228 : memref<1x!tpu.dma_semaphore, #tpu.memory_space<semaphore_mem>> -> memref<!tpu.dma_semaphore, #tpu.memory_space<semaphore_mem>>
      %dma_start3A_230 = arith.constant 0 : i32
      %dma_start3A_231 = tpu.memref_slice %arg4[%add3A_205, %dma_start3A_230] : memref<819200x128xf32, #tpu.memory_space<hbm>> -> memref<128x64xf32, #tpu.memory_space<hbm>>
      %dma_start3A_232 = arith.constant 0 : i32
      %dma_start3A_233 = arith.constant 0 : i32
      %dma_start3A_234 = tpu.memref_slice %arg6[%dma_start3A_220, %dma_start3A_232, %dma_start3A_233] : memref<4x128x64xf32, #tpu.memory_space<vmem>> -> memref<1x128x64xf32, #tpu.memory_space<vmem>>
      %dma_start3A_235 = tpu.memref_squeeze %dma_start3A_234 : memref<1x128x64xf32, #tpu.memory_space<vmem>> -> memref<128x64xf32, #tpu.memory_space<vmem>>
      tpu.enqueue_dma source(%dma_start3A_235 : memref<128x64xf32, #tpu.memory_space<vmem>>) target(%dma_start3A_231 : memref<128x64xf32, #tpu.memory_space<hbm>>) target_semaphore(%dma_start3A_229 : memref<!tpu.dma_semaphore, #tpu.memory_space<semaphore_mem>>)
      %mul3A_236 = arith.constant 4 : i32
      %mul3A_237 = arith.muli %scan3A_73, %mul3A_236 : i32
      %add3A_238 = arith.constant 2 : i32
      %add3A_239 = arith.addi %mul3A_237, %add3A_238 : i32
      %mul3A_240 = arith.constant 128 : i32
      %mul3A_241 = arith.muli %add3A_239, %mul3A_240 : i32
      %add3A_242 = arith.addi %mul3A_2, %mul3A_241 : i32
      %dma_wait3A_243 = arith.constant 2 : i32
      %dma_wait3A_244 = arith.constant 2 : i32
      %dma_wait3A_245 = arith.constant 0 : i32
      %dma_wait3A_246 = arith.constant 0 : i32
      %dma_wait3A_247 = tpu.memref_slice %arg6[%dma_wait3A_243, %dma_wait3A_245, %dma_wait3A_246] : memref<4x128x64xf32, #tpu.memory_space<vmem>> -> memref<1x128x64xf32, #tpu.memory_space<vmem>>
      %dma_wait3A_248 = tpu.memref_squeeze %dma_wait3A_247 : memref<1x128x64xf32, #tpu.memory_space<vmem>> -> memref<128x64xf32, #tpu.memory_space<vmem>>
      %dma_wait3A_249 = arith.constant 0 : i32
      %dma_wait3A_250 = tpu.memref_slice %arg5[%add3A_239, %dma_wait3A_249] : memref<200x128xi32, #tpu.memory_space<vmem>> -> memref<1x128xi32, #tpu.memory_space<vmem>>
      %dma_wait3A_251 = tpu.memref_squeeze %dma_wait3A_250 : memref<1x128xi32, #tpu.memory_space<vmem>> -> memref<128xi32, #tpu.memory_space<vmem>>
      %dma_wait3A_252 = arith.constant 0 : i32
      %dma_wait3A_253 = arith.constant 0 : i32
      %dma_wait3A_254 = tpu.memref_slice %arg3[%dma_wait3A_252, %dma_wait3A_253] : memref<2000004x64xf32, #tpu.memory_space<hbm>> -> memref<2000004x64xf32, #tpu.memory_space<hbm>>
      %dma_wait3A_255 = tpu.memref_slice %arg7[%dma_wait3A_244] : memref<4x!tpu.dma_semaphore, #tpu.memory_space<semaphore_mem>> -> memref<1x!tpu.dma_semaphore, #tpu.memory_space<semaphore_mem>>
      %dma_wait3A_256 = tpu.memref_squeeze %dma_wait3A_255 : memref<1x!tpu.dma_semaphore, #tpu.memory_space<semaphore_mem>> -> memref<!tpu.dma_semaphore, #tpu.memory_space<semaphore_mem>>
      tpu.wait_indirect_dma semaphore(%dma_wait3A_256 : memref<!tpu.dma_semaphore, #tpu.memory_space<semaphore_mem>>) src(%dma_wait3A_254 : memref<2000004x64xf32, #tpu.memory_space<hbm>>) dst(%dma_wait3A_248 : memref<128x64xf32, #tpu.memory_space<vmem>>)
      %dma_start3A_257 = arith.constant 2 : i32
      %dma_start3A_258 = arith.constant 2 : i32
      %dma_start3A_259 = arith.constant 0 : i32
      %dma_start3A_260 = arith.constant 0 : i32
      %dma_start3A_261 = tpu.memref_slice %arg6[%dma_start3A_257, %dma_start3A_259, %dma_start3A_260] : memref<4x128x64xf32, #tpu.memory_space<vmem>> -> memref<1x128x64xf32, #tpu.memory_space<vmem>>
      %dma_start3A_262 = tpu.memref_squeeze %dma_start3A_261 : memref<1x128x64xf32, #tpu.memory_space<vmem>> -> memref<128x64xf32, #tpu.memory_space<vmem>>
      %dma_start3A_263 = arith.constant 0 : i32
      %dma_start3A_264 = tpu.memref_slice %arg4[%add3A_242, %dma_start3A_263] : memref<819200x128xf32, #tpu.memory_space<hbm>> -> memref<128x64xf32, #tpu.memory_space<hbm>>
      %dma_start3A_265 = tpu.memref_slice %arg8[%dma_start3A_258] : memref<4x!tpu.dma_semaphore, #tpu.memory_space<semaphore_mem>> -> memref<1x!tpu.dma_semaphore, #tpu.memory_space<semaphore_mem>>
      %dma_start3A_266 = tpu.memref_squeeze %dma_start3A_265 : memref<1x!tpu.dma_semaphore, #tpu.memory_space<semaphore_mem>> -> memref<!tpu.dma_semaphore, #tpu.memory_space<semaphore_mem>>
      %dma_start3A_267 = arith.constant 0 : i32
      %dma_start3A_268 = tpu.memref_slice %arg4[%add3A_242, %dma_start3A_267] : memref<819200x128xf32, #tpu.memory_space<hbm>> -> memref<128x64xf32, #tpu.memory_space<hbm>>
      %dma_start3A_269 = arith.constant 0 : i32
      %dma_start3A_270 = arith.constant 0 : i32
      %dma_start3A_271 = tpu.memref_slice %arg6[%dma_start3A_257, %dma_start3A_269, %dma_start3A_270] : memref<4x128x64xf32, #tpu.memory_space<vmem>> -> memref<1x128x64xf32, #tpu.memory_space<vmem>>
      %dma_start3A_272 = tpu.memref_squeeze %dma_start3A_271 : memref<1x128x64xf32, #tpu.memory_space<vmem>> -> memref<128x64xf32, #tpu.memory_space<vmem>>
      tpu.enqueue_dma source(%dma_start3A_272 : memref<128x64xf32, #tpu.memory_space<vmem>>) target(%dma_start3A_268 : memref<128x64xf32, #tpu.memory_space<hbm>>) target_semaphore(%dma_start3A_266 : memref<!tpu.dma_semaphore, #tpu.memory_space<semaphore_mem>>)
      %mul3A_273 = arith.constant 4 : i32
      %mul3A_274 = arith.muli %scan3A_73, %mul3A_273 : i32
      %add3A_275 = arith.constant 3 : i32
      %add3A_276 = arith.addi %mul3A_274, %add3A_275 : i32
      %mul3A_277 = arith.constant 128 : i32
      %mul3A_278 = arith.muli %add3A_276, %mul3A_277 : i32
      %add3A_279 = arith.addi %mul3A_2, %mul3A_278 : i32
      %dma_wait3A_280 = arith.constant 3 : i32
      %dma_wait3A_281 = arith.constant 3 : i32
      %dma_wait3A_282 = arith.constant 0 : i32
      %dma_wait3A_283 = arith.constant 0 : i32
      %dma_wait3A_284 = tpu.memref_slice %arg6[%dma_wait3A_280, %dma_wait3A_282, %dma_wait3A_283] : memref<4x128x64xf32, #tpu.memory_space<vmem>> -> memref<1x128x64xf32, #tpu.memory_space<vmem>>
      %dma_wait3A_285 = tpu.memref_squeeze %dma_wait3A_284 : memref<1x128x64xf32, #tpu.memory_space<vmem>> -> memref<128x64xf32, #tpu.memory_space<vmem>>
      %dma_wait3A_286 = arith.constant 0 : i32
      %dma_wait3A_287 = tpu.memref_slice %arg5[%add3A_276, %dma_wait3A_286] : memref<200x128xi32, #tpu.memory_space<vmem>> -> memref<1x128xi32, #tpu.memory_space<vmem>>
      %dma_wait3A_288 = tpu.memref_squeeze %dma_wait3A_287 : memref<1x128xi32, #tpu.memory_space<vmem>> -> memref<128xi32, #tpu.memory_space<vmem>>
      %dma_wait3A_289 = arith.constant 0 : i32
      %dma_wait3A_290 = arith.constant 0 : i32
      %dma_wait3A_291 = tpu.memref_slice %arg3[%dma_wait3A_289, %dma_wait3A_290] : memref<2000004x64xf32, #tpu.memory_space<hbm>> -> memref<2000004x64xf32, #tpu.memory_space<hbm>>
      %dma_wait3A_292 = tpu.memref_slice %arg7[%dma_wait3A_281] : memref<4x!tpu.dma_semaphore, #tpu.memory_space<semaphore_mem>> -> memref<1x!tpu.dma_semaphore, #tpu.memory_space<semaphore_mem>>
      %dma_wait3A_293 = tpu.memref_squeeze %dma_wait3A_292 : memref<1x!tpu.dma_semaphore, #tpu.memory_space<semaphore_mem>> -> memref<!tpu.dma_semaphore, #tpu.memory_space<semaphore_mem>>
      tpu.wait_indirect_dma semaphore(%dma_wait3A_293 : memref<!tpu.dma_semaphore, #tpu.memory_space<semaphore_mem>>) src(%dma_wait3A_291 : memref<2000004x64xf32, #tpu.memory_space<hbm>>) dst(%dma_wait3A_285 : memref<128x64xf32, #tpu.memory_space<vmem>>)
      %dma_start3A_294 = arith.constant 3 : i32
      %dma_start3A_295 = arith.constant 3 : i32
      %dma_start3A_296 = arith.constant 0 : i32
      %dma_start3A_297 = arith.constant 0 : i32
      %dma_start3A_298 = tpu.memref_slice %arg6[%dma_start3A_294, %dma_start3A_296, %dma_start3A_297] : memref<4x128x64xf32, #tpu.memory_space<vmem>> -> memref<1x128x64xf32, #tpu.memory_space<vmem>>
      %dma_start3A_299 = tpu.memref_squeeze %dma_start3A_298 : memref<1x128x64xf32, #tpu.memory_space<vmem>> -> memref<128x64xf32, #tpu.memory_space<vmem>>
      %dma_start3A_300 = arith.constant 0 : i32
      %dma_start3A_301 = tpu.memref_slice %arg4[%add3A_279, %dma_start3A_300] : memref<819200x128xf32, #tpu.memory_space<hbm>> -> memref<128x64xf32, #tpu.memory_space<hbm>>
      %dma_start3A_302 = tpu.memref_slice %arg8[%dma_start3A_295] : memref<4x!tpu.dma_semaphore, #tpu.memory_space<semaphore_mem>> -> memref<1x!tpu.dma_semaphore, #tpu.memory_space<semaphore_mem>>
      %dma_start3A_303 = tpu.memref_squeeze %dma_start3A_302 : memref<1x!tpu.dma_semaphore, #tpu.memory_space<semaphore_mem>> -> memref<!tpu.dma_semaphore, #tpu.memory_space<semaphore_mem>>
      %dma_start3A_304 = arith.constant 0 : i32
      %dma_start3A_305 = tpu.memref_slice %arg4[%add3A_279, %dma_start3A_304] : memref<819200x128xf32, #tpu.memory_space<hbm>> -> memref<128x64xf32, #tpu.memory_space<hbm>>
      %dma_start3A_306 = arith.constant 0 : i32
      %dma_start3A_307 = arith.constant 0 : i32
      %dma_start3A_308 = tpu.memref_slice %arg6[%dma_start3A_294, %dma_start3A_306, %dma_start3A_307] : memref<4x128x64xf32, #tpu.memory_space<vmem>> -> memref<1x128x64xf32, #tpu.memory_space<vmem>>
      %dma_start3A_309 = tpu.memref_squeeze %dma_start3A_308 : memref<1x128x64xf32, #tpu.memory_space<vmem>> -> memref<128x64xf32, #tpu.memory_space<vmem>>
      tpu.enqueue_dma source(%dma_start3A_309 : memref<128x64xf32, #tpu.memory_space<vmem>>) target(%dma_start3A_305 : memref<128x64xf32, #tpu.memory_space<hbm>>) target_semaphore(%dma_start3A_303 : memref<!tpu.dma_semaphore, #tpu.memory_space<semaphore_mem>>)
    }
    %scan3A_9 = arith.constant 50 : i32
    %dma_wait3A = arith.constant 0 : i32
    %dma_wait3A_10 = arith.constant 0 : i32
    %dma_wait3A_11 = arith.constant 0 : i32
    %dma_wait3A_12 = arith.constant 0 : i32
    %dma_wait3A_13 = tpu.memref_slice %arg6[%dma_wait3A, %dma_wait3A_11, %dma_wait3A_12] : memref<4x128x64xf32, #tpu.memory_space<vmem>> -> memref<1x128x64xf32, #tpu.memory_space<vmem>>
    %dma_wait3A_14 = tpu.memref_squeeze %dma_wait3A_13 : memref<1x128x64xf32, #tpu.memory_space<vmem>> -> memref<128x64xf32, #tpu.memory_space<vmem>>
    %dma_wait3A_15 = arith.constant 0 : i32
    %dma_wait3A_16 = tpu.memref_slice %arg4[%mul3A_2, %dma_wait3A_15] : memref<819200x128xf32, #tpu.memory_space<hbm>> -> memref<128x64xf32, #tpu.memory_space<hbm>>
    %dma_wait3A_17 = tpu.memref_slice %arg8[%dma_wait3A_10] : memref<4x!tpu.dma_semaphore, #tpu.memory_space<semaphore_mem>> -> memref<1x!tpu.dma_semaphore, #tpu.memory_space<semaphore_mem>>
    %dma_wait3A_18 = tpu.memref_squeeze %dma_wait3A_17 : memref<1x!tpu.dma_semaphore, #tpu.memory_space<semaphore_mem>> -> memref<!tpu.dma_semaphore, #tpu.memory_space<semaphore_mem>>
    %dma_wait3A_19 = arith.constant 0 : i32
    %dma_wait3A_20 = tpu.memref_slice %arg4[%mul3A_2, %dma_wait3A_19] : memref<819200x128xf32, #tpu.memory_space<hbm>> -> memref<128x64xf32, #tpu.memory_space<hbm>>
    %dma_wait3A_21 = arith.constant 0 : i32
    %dma_wait3A_22 = arith.constant 0 : i32
    %dma_wait3A_23 = tpu.memref_slice %arg6[%dma_wait3A, %dma_wait3A_21, %dma_wait3A_22] : memref<4x128x64xf32, #tpu.memory_space<vmem>> -> memref<1x128x64xf32, #tpu.memory_space<vmem>>
    %dma_wait3A_24 = tpu.memref_squeeze %dma_wait3A_23 : memref<1x128x64xf32, #tpu.memory_space<vmem>> -> memref<128x64xf32, #tpu.memory_space<vmem>>
    tpu.wait_dma2 semaphore(%dma_wait3A_18 : memref<!tpu.dma_semaphore, #tpu.memory_space<semaphore_mem>>) src(%dma_wait3A_24 : memref<128x64xf32, #tpu.memory_space<vmem>>) dst(%dma_wait3A_20 : memref<128x64xf32, #tpu.memory_space<hbm>>)
    %dma_wait3A_25 = arith.constant 1 : i32
    %dma_wait3A_26 = arith.constant 1 : i32
    %dma_wait3A_27 = arith.constant 0 : i32
    %dma_wait3A_28 = arith.constant 0 : i32
    %dma_wait3A_29 = tpu.memref_slice %arg6[%dma_wait3A_25, %dma_wait3A_27, %dma_wait3A_28] : memref<4x128x64xf32, #tpu.memory_space<vmem>> -> memref<1x128x64xf32, #tpu.memory_space<vmem>>
    %dma_wait3A_30 = tpu.memref_squeeze %dma_wait3A_29 : memref<1x128x64xf32, #tpu.memory_space<vmem>> -> memref<128x64xf32, #tpu.memory_space<vmem>>
    %dma_wait3A_31 = arith.constant 0 : i32
    %dma_wait3A_32 = tpu.memref_slice %arg4[%mul3A_2, %dma_wait3A_31] : memref<819200x128xf32, #tpu.memory_space<hbm>> -> memref<128x64xf32, #tpu.memory_space<hbm>>
    %dma_wait3A_33 = tpu.memref_slice %arg8[%dma_wait3A_26] : memref<4x!tpu.dma_semaphore, #tpu.memory_space<semaphore_mem>> -> memref<1x!tpu.dma_semaphore, #tpu.memory_space<semaphore_mem>>
    %dma_wait3A_34 = tpu.memref_squeeze %dma_wait3A_33 : memref<1x!tpu.dma_semaphore, #tpu.memory_space<semaphore_mem>> -> memref<!tpu.dma_semaphore, #tpu.memory_space<semaphore_mem>>
    %dma_wait3A_35 = arith.constant 0 : i32
    %dma_wait3A_36 = tpu.memref_slice %arg4[%mul3A_2, %dma_wait3A_35] : memref<819200x128xf32, #tpu.memory_space<hbm>> -> memref<128x64xf32, #tpu.memory_space<hbm>>
    %dma_wait3A_37 = arith.constant 0 : i32
    %dma_wait3A_38 = arith.constant 0 : i32
    %dma_wait3A_39 = tpu.memref_slice %arg6[%dma_wait3A_25, %dma_wait3A_37, %dma_wait3A_38] : memref<4x128x64xf32, #tpu.memory_space<vmem>> -> memref<1x128x64xf32, #tpu.memory_space<vmem>>
    %dma_wait3A_40 = tpu.memref_squeeze %dma_wait3A_39 : memref<1x128x64xf32, #tpu.memory_space<vmem>> -> memref<128x64xf32, #tpu.memory_space<vmem>>
    tpu.wait_dma2 semaphore(%dma_wait3A_34 : memref<!tpu.dma_semaphore, #tpu.memory_space<semaphore_mem>>) src(%dma_wait3A_40 : memref<128x64xf32, #tpu.memory_space<vmem>>) dst(%dma_wait3A_36 : memref<128x64xf32, #tpu.memory_space<hbm>>)
    %dma_wait3A_41 = arith.constant 2 : i32
    %dma_wait3A_42 = arith.constant 2 : i32
    %dma_wait3A_43 = arith.constant 0 : i32
    %dma_wait3A_44 = arith.constant 0 : i32
    %dma_wait3A_45 = tpu.memref_slice %arg6[%dma_wait3A_41, %dma_wait3A_43, %dma_wait3A_44] : memref<4x128x64xf32, #tpu.memory_space<vmem>> -> memref<1x128x64xf32, #tpu.memory_space<vmem>>
    %dma_wait3A_46 = tpu.memref_squeeze %dma_wait3A_45 : memref<1x128x64xf32, #tpu.memory_space<vmem>> -> memref<128x64xf32, #tpu.memory_space<vmem>>
    %dma_wait3A_47 = arith.constant 0 : i32
    %dma_wait3A_48 = tpu.memref_slice %arg4[%mul3A_2, %dma_wait3A_47] : memref<819200x128xf32, #tpu.memory_space<hbm>> -> memref<128x64xf32, #tpu.memory_space<hbm>>
    %dma_wait3A_49 = tpu.memref_slice %arg8[%dma_wait3A_42] : memref<4x!tpu.dma_semaphore, #tpu.memory_space<semaphore_mem>> -> memref<1x!tpu.dma_semaphore, #tpu.memory_space<semaphore_mem>>
    %dma_wait3A_50 = tpu.memref_squeeze %dma_wait3A_49 : memref<1x!tpu.dma_semaphore, #tpu.memory_space<semaphore_mem>> -> memref<!tpu.dma_semaphore, #tpu.memory_space<semaphore_mem>>
    %dma_wait3A_51 = arith.constant 0 : i32
    %dma_wait3A_52 = tpu.memref_slice %arg4[%mul3A_2, %dma_wait3A_51] : memref<819200x128xf32, #tpu.memory_space<hbm>> -> memref<128x64xf32, #tpu.memory_space<hbm>>
    %dma_wait3A_53 = arith.constant 0 : i32
    %dma_wait3A_54 = arith.constant 0 : i32
    %dma_wait3A_55 = tpu.memref_slice %arg6[%dma_wait3A_41, %dma_wait3A_53, %dma_wait3A_54] : memref<4x128x64xf32, #tpu.memory_space<vmem>> -> memref<1x128x64xf32, #tpu.memory_space<vmem>>
    %dma_wait3A_56 = tpu.memref_squeeze %dma_wait3A_55 : memref<1x128x64xf32, #tpu.memory_space<vmem>> -> memref<128x64xf32, #tpu.memory_space<vmem>>
    tpu.wait_dma2 semaphore(%dma_wait3A_50 : memref<!tpu.dma_semaphore, #tpu.memory_space<semaphore_mem>>) src(%dma_wait3A_56 : memref<128x64xf32, #tpu.memory_space<vmem>>) dst(%dma_wait3A_52 : memref<128x64xf32, #tpu.memory_space<hbm>>)
    %dma_wait3A_57 = arith.constant 3 : i32
    %dma_wait3A_58 = arith.constant 3 : i32
    %dma_wait3A_59 = arith.constant 0 : i32
    %dma_wait3A_60 = arith.constant 0 : i32
    %dma_wait3A_61 = tpu.memref_slice %arg6[%dma_wait3A_57, %dma_wait3A_59, %dma_wait3A_60] : memref<4x128x64xf32, #tpu.memory_space<vmem>> -> memref<1x128x64xf32, #tpu.memory_space<vmem>>
    %dma_wait3A_62 = tpu.memref_squeeze %dma_wait3A_61 : memref<1x128x64xf32, #tpu.memory_space<vmem>> -> memref<128x64xf32, #tpu.memory_space<vmem>>
    %dma_wait3A_63 = arith.constant 0 : i32
    %dma_wait3A_64 = tpu.memref_slice %arg4[%mul3A_2, %dma_wait3A_63] : memref<819200x128xf32, #tpu.memory_space<hbm>> -> memref<128x64xf32, #tpu.memory_space<hbm>>
    %dma_wait3A_65 = tpu.memref_slice %arg8[%dma_wait3A_58] : memref<4x!tpu.dma_semaphore, #tpu.memory_space<semaphore_mem>> -> memref<1x!tpu.dma_semaphore, #tpu.memory_space<semaphore_mem>>
    %dma_wait3A_66 = tpu.memref_squeeze %dma_wait3A_65 : memref<1x!tpu.dma_semaphore, #tpu.memory_space<semaphore_mem>> -> memref<!tpu.dma_semaphore, #tpu.memory_space<semaphore_mem>>
    %dma_wait3A_67 = arith.constant 0 : i32
    %dma_wait3A_68 = tpu.memref_slice %arg4[%mul3A_2, %dma_wait3A_67] : memref<819200x128xf32, #tpu.memory_space<hbm>> -> memref<128x64xf32, #tpu.memory_space<hbm>>
    %dma_wait3A_69 = arith.constant 0 : i32
    %dma_wait3A_70 = arith.constant 0 : i32
    %dma_wait3A_71 = tpu.memref_slice %arg6[%dma_wait3A_57, %dma_wait3A_69, %dma_wait3A_70] : memref<4x128x64xf32, #tpu.memory_space<vmem>> -> memref<1x128x64xf32, #tpu.memory_space<vmem>>
    %dma_wait3A_72 = tpu.memref_squeeze %dma_wait3A_71 : memref<1x128x64xf32, #tpu.memory_space<vmem>> -> memref<128x64xf32, #tpu.memory_space<vmem>>
    tpu.wait_dma2 semaphore(%dma_wait3A_66 : memref<!tpu.dma_semaphore, #tpu.memory_space<semaphore_mem>>) src(%dma_wait3A_72 : memref<128x64xf32, #tpu.memory_space<vmem>>) dst(%dma_wait3A_68 : memref<128x64xf32, #tpu.memory_space<hbm>>)
    return
  }
}

</mosaic_0001>

<sc_bundles>
// kernel: _gather_sc.3.cloned.1.call-start
scs
__scs_entry_jumppad:
0x0: {  	(pc) =	sbr.rel $0x88, $3  }
0x1: {  	(tag) =	ssettag $0x0;
	lr =	simm.s32 $0x1  }
0x2: {  	[smem:$0x3F9F] =	sst lr;
	_ =	strace $0xD0000000  }
0x3: {  	_ = 	snop  }
0x4: {  	_ = 	snop  }
0x5: {  	_ = 	snop  }
0x6: {  	_ = 	snop  }
0x7: {  	_ = 	snop  }
__scs_overlays_trampoline_lowered:
0x8: {  	[smem:$0x3FAE] =	sst s0  }
0x9: {  	[smem:$0x3FAF] =	sst s1  }
0xa: {  	[smem:$0x3FB0] =	sst s2  }
0xb: {  	[smem:$0x3FB1] =	sst s3  }
0xc: {  	[smem:$0x3FB2] =	sst s4  }
0xd: {  	[smem:$0x3FB3] =	sst s5  }
0xe: {  	[smem:$0x3FB4] =	sst s6  }
0xf: {  	[smem:$0x3FB5] =	sst s7  }
0x10: {  	[smem:$0x3FB6] =	sst s8  }
0x11: {  	[smem:$0x3FB7] =	sst s9;
	s0 =	simm.s32 @!p0 $0x0  }
0x12: {  	s1 =	sld [smem:$0x3F9D];
	s0 =	simm.s32 @p0 $0x1  }
0x13: {  	[smem:$0x3FB8] =	sst s0;
	s0 =	simm.s32 @!p1 $0x0  }
0x14: {  	s2 =	sld [smem:$0x3F9C];
	s0 =	simm.s32 @p1 $0x1  }
0x15: {  	[smem:$0x3FB9] =	sst s0;
	s0 =	simm.s32 @!p2 $0x0  }
0x16: {  	s3 =	sld [smem:$0x3FDB];
	s0 =	simm.s32 @p2 $0x1  }
0x17: {  	s4 =	simm.s32 $0x1BF5;
	[smem:$0x3FBB] =	sst s0  }
0x18: {  	s0 =	sld [smem:$0x3F9E];
	_ =	swait.ge [sflag:s4], $0x0  }
0x19: {  	s7 =	sld [smem:$0x3F9F]  }
0x1a: {  	s8 =	sadd.s32 $0xFFFFE003, lr  }
0x1b: {  	s9 =	sadd.s32 $0xFFFFFEF7, lr;
	s5 =	simm.s32 $0xFFFFFFFF;
	p2 =	slt.u32 s8, $0xFFFFF086  }
0x1c: {  	p1 =	slt.u32 s9, $0xF7A;
	s5 =	simm.s32 @!p2 $0x0  }
0x1d: {  	s5 =	simm.s32 @p1 $0x1;
	p0 =	seq.s32 s7, s2  }
0x1e: {  	s7 =	smul.u32 @!p0 $0xF7A, s2;
	p2 =	seq.s32 @!p0 s5, $0x0  }
0x1f: {  	s9 =	smul.u32 $0xF7A, s1;
	s8 =	simm.s32 @!p0 $0x1BF5;
	p2 =	por !p2, p0  }
0x20: {  	[sflag:s8] =	ssyncset.s32 @!p0 $0xFFFFF086;
	s6 =	sadd.s32 @!p0 s3, s7;
	s7 =	simm.s32 @!p0 $0x108  }
0x21: {  	s3 =	sadd.s32 s3, s9;
	s6 =	sadd.s32 @!p0 $0x88, s6;
	s7 =	simm.s32 @p2 $0x1082  }
0x22: {  	[simem:s7], [sflag:s8] =	dma.local @!p0 [hbm:s6], $0xF7A  }
0x23: {  	s9 =	sor.u32 $0xD0000000, s2;
	s6 =	simm.s32 $0x108;
	_ =	swait.ge @!p0 [sflag:s8], $0x0  }
0x24: {  	s3 =	sadd.s32 $0x88, s3;
	s6 =	simm.s32 @!p1 $0x1082;
	[sflag:s4] =	ssyncset.s32 $0xFFFFF086  }
0x25: {  	[simem:s6], [sflag:s4] =	dma.local [hbm:s3], $0xF7A  }
0x26: {  	[smem:$0x3F9F] =	sst s1;
	(tag) =	ssettag s2;
	_ =	strace s9  }
0x27: {  	s1 =	sld [smem:$0x3FAF]  }
0x28: {  	s2 =	sld [smem:$0x3FB0]  }
0x29: {  	s4 =	sld [smem:$0x3FB2]  }
0x2a: {  	p0 =	seq.s32 s5, $0x0;
	s5 =	sld [smem:$0x3FB3]  }
0x2b: {  	s6 =	sld [smem:$0x3FB4]  }
0x2c: {  	s7 =	sld [smem:$0x3FB5]  }
0x2d: {  	s3 =	simm.s32 $0x108;
	s8 =	sld [smem:$0x3FB6]  }
0x2e: {  	s3 =	simm.s32 @!p0 $0x1082;
	s9 =	sld [smem:$0x3FB7]  }
0x2f: {  	lr =	sadd.s32 s0, s3;
	s0 =	sld [smem:$0x3FAE]  }
0x30: {  	s3 =	sld [smem:$0x3FB1]  }
0x31: {  	[smem:$0x3FBA] =	sst s10  }
0x32: {  	s10 =	sld [smem:$0x3FB8];
	_ =	sdelay $0x3  }
0x33: {  	p0 =	seq.s32 s10, $0x1;
	s10 =	sld [smem:$0x3FBA];
	_ =	sdelay $0x3  }
0x34: {  	[smem:$0x3FBA] =	sst s10  }
0x35: {  	s10 =	sld [smem:$0x3FB9];
	_ =	sdelay $0x3  }
0x36: {  	p1 =	seq.s32 s10, $0x1;
	s10 =	sld [smem:$0x3FBA];
	_ =	sdelay $0x3  }
0x37: {  	[smem:$0x3FBA] =	sst s10  }
0x38: {  	s10 =	sld [smem:$0x3FBB]  }
0x39: {  	_ = 	snop;
	(pc) =	sbr.ind lr, $3  }
0x3a: {  	_ = 	snop  }
0x3b: {  	_ = 	snop  }
0x3c: {  	p2 =	seq.s32 s10, $0x1;
	s10 =	sld [smem:$0x3FBA]  }
0x3d: {  	_ =	shalt  }
0x3e: {  	_ =	shalt  }
0x3f: {  	_ =	shalt  }
0x40: {  	_ =	shalt  }
0x41: {  	_ =	shalt  }
0x42: {  	_ =	shalt  }
0x43: {  	_ =	shalt  }
0x44: {  	_ =	shalt  }
0x45: {  	_ =	shalt  }
0x46: {  	_ =	shalt  }
0x47: {  	_ =	shalt  }
0x48: {  	_ =	shalt  }
0x49: {  	_ =	shalt  }
0x4a: {  	_ =	shalt  }
0x4b: {  	_ =	shalt  }
0x4c: {  	_ =	shalt  }
0x4d: {  	_ =	shalt  }
0x4e: {  	_ =	shalt  }
0x4f: {  	_ =	shalt  }
0x50: {  	_ =	shalt  }
0x51: {  	_ =	shalt  }
0x52: {  	_ =	shalt  }
0x53: {  	_ =	shalt  }
0x54: {  	_ =	shalt  }
0x55: {  	_ =	shalt  }
0x56: {  	_ =	shalt  }
0x57: {  	_ =	shalt  }
0x58: {  	_ =	shalt  }
0x59: {  	_ =	shalt  }
0x5a: {  	_ =	shalt  }
0x5b: {  	_ =	shalt  }
0x5c: {  	_ =	shalt  }
0x5d: {  	_ =	shalt  }
0x5e: {  	_ =	shalt  }
0x5f: {  	_ =	shalt  }
0x60: {  	_ =	shalt  }
0x61: {  	_ =	shalt  }
0x62: {  	_ =	shalt  }
0x63: {  	_ =	shalt  }
0x64: {  	_ =	shalt  }
0x65: {  	_ =	shalt  }
0x66: {  	_ =	shalt  }
0x67: {  	_ =	shalt  }
0x68: {  	_ =	shalt  }
0x69: {  	_ =	shalt  }
0x6a: {  	_ =	shalt  }
0x6b: {  	_ =	shalt  }
0x6c: {  	_ =	shalt  }
0x6d: {  	_ =	shalt  }
0x6e: {  	_ =	shalt  }
0x6f: {  	_ =	shalt  }
0x70: {  	_ =	shalt  }
0x71: {  	_ =	shalt  }
0x72: {  	_ =	shalt  }
0x73: {  	_ =	shalt  }
0x74: {  	_ =	shalt  }
0x75: {  	_ =	shalt  }
0x76: {  	_ =	shalt  }
0x77: {  	_ =	shalt  }
0x78: {  	_ =	shalt  }
0x79: {  	_ =	shalt  }
0x7a: {  	_ =	shalt  }
0x7b: {  	_ =	shalt  }
0x7c: {  	_ =	shalt  }
0x7d: {  	_ =	shalt  }
0x7e: {  	_ =	shalt  }
0x7f: {  	_ =	shalt  }
0x80: {  	_ =	shalt  }
0x81: {  	_ =	shalt  }
0x82: {  	_ =	shalt  }
0x83: {  	_ =	shalt  }
0x84: {  	_ =	shalt  }
0x85: {  	_ =	shalt  }
0x86: {  	_ =	shalt  }
0x87: {  	_ =	shalt  }
.Lfunc_end0:
.L_simem_size_0:
called_computation_lowered:
.L_overlay_start_0:
0x88: {  	s2 =	sld [smem:$0x3FD9]  }
0x89: {  	s3 =	sld [smem:$0x3FFE];
	_ =	sdelay $0x1  }
0x8a: {  	s1 =	srdreg.scid  }
0x8b: {  	s0 =	sand.u32 $0x1, s1  }
0x8c: {  	s17 =	sshll.u32 s0, $0xA;
	s2 =	sadd.s32 s3, s2  }
0x8d: {  	s2 =	sadd.s32 s2, s17  }
0x8e: {  	[smem:$0x3FC6] =	sst s2  }
0x8f: {  	_ = 	snop  }
0x90: {  	s2 =	sld [smem:$0x3FC9]  }
0x91: {  	s18 =	sld [smem:$0x3FD0];
	(tm) =	ssettm $0x1  }
0x92: {  	s4 =	sld [smem:$0x3FFB];
	_ =	sdelay $0x3  }
0x93: {  	_ =	strace s4  }
0x94: {  	s4 =	sld [smem:$0x3FFC];
	_ =	sdelay $0x3  }
0x95: {  	_ =	strace s4  }
0x96: {  	s4 =	sld [smem:$0x3FFD];
	_ =	sdelay $0x3  }
0x97: {  	_ =	strace s4  }
0x98: {  	_ =	strace $0x8FFFFFFF  }
0x99: {  	s19 =	sld [smem:$0x3FDB];
	_ =	sdelay $0x1  }
0x9a: {  	s5 =	simm.s32 $_scs_section_size  }
0x9b: {  	s6 =	simm.s32 $_size__tile_overlayer_lowered;
	s7 =	simm.s32 $_tile_overlayer_lowered  }
0x9c: {  	s22 =	simm.s32 $0x1BFF;
	s21 =	sshll.u32 s7, $0x1;
	s4 =	sadd.s32 s5, s19  }
0x9d: {  	s8 =	simm.s32 $0x0;
	s20 =	sshll.u32 s6, $0x1;
	s6 =	sadd.s32 s21, s4  }
0x9e: {  	[timem:s8], [sflag:s22] =	dma.local [hbm:s6], s20  }
0x9f: {  	_ =	swait.ge [sflag:s22], s20  }
0xa0: {  	s5 =	ssub.s32 $0x0, s20;
	[sflag:s22] =	ssyncset.done $0x0  }
0xa1: {  	[sflag:s22] =	ssyncadd.s32 s5;
	_ =	sdelay $0x1  }
0xa2: {  	s23 =	simm.s32 $0x1B8B  }
0xa3: {  	_ =	swait.ge [sflag:s23], $0x1  }
0xa4: {  	[sflag:s23] =	ssyncset.done $0x0  }
0xa5: {  	s25 =	simm.s32 $0x1B8E;
	s24 =	sld [smem:$0x3FFE];
	[sflag:s23] =	ssyncadd.s32 $0xFFFFFFFF  }
0xa6: {  	s26 =	simm.s32 $execute0_lowered;
	[smem:$0x3FD2] =	sst s25  }
0xa7: {  	s6 =	sshll.u32 s26, $0x1;
	_ =	strace $0x80000046;
	[dreg:$0x1] =	wrdreg $0xFFFFFFFF  }
0xa8: {  	s28 =	simm.s32 $_size_execute0_lowered;
	s4 =	sadd.s32 s4, s6;
	[dreg:$0x0] =	wrdreg $0x0  }
0xa9: {  	s6 =	sshll.u32 s28, $0x1;
	[dreg:$0x2] =	wrdreg s4  }
0xaa: {  	[dreg:$0x3] =	wrdreg s6  }
0xab: {  	[dreg:$0x4] =	wrdreg $0xC0  }
0xac: {  	_ =	task [dreg:s8], $0x5FFFF  }
0xad: {  	[dreg:$0x1] =	wrdreg $0xFFFFFFFF  }
0xae: {  	[dreg:$0x0] =	wrdreg $0x60  }
0xaf: {  	[dreg:$0x2] =	wrdreg s2  }
0xb0: {  	[dreg:$0x3] =	wrdreg s24  }
0xb1: {  	[dreg:$0x4] =	wrdreg s18  }
0xb2: {  	[dreg:$0x5] =	wrdreg $0x9  }
0xb3: {  	_ =	task.clear_ibuf [dreg:s8], $0x6FFFF;
	_ =	strace $0x90000046  }
0xb4: {  	s29 =	simm.s32 $0x9;
	_ =	strace $0x80000048  }
0xb5: {  	_ =	swait.ge [sflag:s29], $0x1  }
0xb6: {  	[sflag:s29] =	ssyncadd.s32 $0xFFFFFFFF  }
0xb7: {  	_ =	strace $0x90000048  }
0xb8: {  	_ =	sfence  }
0xb9: {  	s30 =	sld [smem:$0x0];
	_ =	sdelay $0x2  }
0xba: {  	s31 =	sshll.u32 s1, $0xD;
	s1 =	sshrl.u32 s1, $0x2  }
0xbb: {  	s3 =	sand.u32 $0x4000, s31;
	s1 =	sadd.s32 s1, s30  }
0xbc: {  	s0 =	sor.u32 s3, s0;
	s1 =	sshll.u32 s1, $0x11  }
0xbd: {  	s0 =	sor.u32 s1, s0  }
0xbe: {  	s0 =	sadd.s32 $0x8F2B, s0  }
0xbf: {  	[sflag:s0] =	ssyncadd.remote.s32 $0x1  }
0xc0: {  	_ =	sfence.sel $0xFFFF  }
0xc1: {  	[dreg:$0x0] =	wrdreg $0xFFFFFFFF;
	(pc) =	sbr.abs _section_cstart, $3  }
0xc2: {  	[dreg:$0x1] =	wrdreg $0xFFFFFFFF  }
0xc3: {  	_ =	task.clear_ibuf [dreg:s8], $0x2FFFF;
	_ =	strace $0x9FFFFFFF  }
0xc4: {  	(tm) =	ssettm $0x7FFFFFFF  }
0xc5: {  	_ =	shalt  }
tec
execute0_lowered:
.L_overlay_start_1:
0x0: {  	(tag) =	ssettag $0x1  }
0x1: {  	s6 =	rddreg [dreg:$0x0]  }
0x2: {  	s4 =	rddreg [dreg:$0x1]  }
0x3: {  	s1 =	rddreg [dreg:$0x2];
	s0 =	simm.s32 $0x0;
	s5 =	srdreg.scid  }
0x4: {  	s30 =	stileid.u32;
	s13 =	simm.s32 $0x6400;
	s12 =	simm.s32 $0x1  }
0x5: {  	s14 =	simm.s32 $0x8400;
	s16 =	simm.s32 $0xA400;
	s15 =	simm.s32 $0x3  }
0x6: {  	s17 =	simm.s32 $0x5;
	s18 =	simm.s32 $0x6;
	s19 =	simm.s32 $0x7  }
0x7: {  	s20 =	simm.s32 $0x8;
	s21 =	simm.s32 $0x0;
	[smem:$0x7FF] =	sst s0  }
0x8: {  	s5 =	sand.u32 $0x1, s5;
	s7 =	sshll.u32 s30, $0x1;
	s8 =	smul.u32 $0x640000, s30  }
0x9: {  	s4 =	sadd.s32 $0x1E84E00, s4;
	s9 =	ssub.s32 $0x2, s5;
	s7 =	sor.u32 s5, s7  }
0xa: {  	s5 =	smul.u32 $0x320000, s5;
	_ =	strace $0x80000047;
	[dreg:$0x4] =	wrdreg s13  }
0xb: {  	s13 =	simm.s32 $0x40;
	[dreg:$0x5] =	wrdreg s14;
	s14 =	simm.s32 $0x2  }
0xc: {  	[dreg:$0x6] =	wrdreg s16;
	s10 =	sshrl.u32 s9, $0x1;
	s11 =	smul.u32 $0xC80, s7  }
0xd: {  	s16 =	simm.s32 $0x4;
	s9 =	ssub.s32 s9, s10;
	s8 =	sadd.s32 s5, s8  }
0xe: {  	s5 =	smul.u32 $0x6400, s7;
	s10 =	simm.s32 $0x80;
	s31 =	sadd.s32 s6, s11  }
0xf: {  	s8 =	sshrl.u32 s8, $0x3;
	s7 =	smax.u32 s9, $0x1;
	s9 =	simm.s32 $0x9  }
0x10: {  	s11 =	simm.s32 $0xC400;
	[dreg:$0x7] =	wrdreg s31;
	s8 =	sadd.s32 s8, s1  }
.LBB2_1:
0x11: {  	s0 =	simm.s32 $0x0;
	s2 =	rddreg [dreg:$0x7]  }
0x12: {  	[tilespmem:s0], [sflag:$0x9] =	stream.linear.gather [hbm4b:s2+s0], $0x6400, $0x38;
	[tilespmem:$0xE400] =	vst v63  }
0x13: {  	p0 =	por $0x0, $0x0;
	_ =	swait.ge [sflag:s9], $0x6400  }
0x14: {  	p1 =	por p0, p0;
	[sflag:s9] =	ssyncset.done $0x0  }
0x15: {  	s22 =	simm.s32 @p1 $0x5;
	[sflag:s9] =	ssyncadd.s32 $0xFFFF9C00  }
0x16: {  	_ =	swait.ge @p1 [sflag:s22], $0x2000  }
0x17: {  	s23 =	simm.s32 @p1 $0x6400;
	s24 =	simm.s32 @p1 $0x6;
	[sflag:s22] =	ssyncset.done @p1 $0x0  }
0x18: {  	s25 =	simm.s32 @p1 $0x80;
	[sflag:s22] =	ssyncadd.s32 @p1 $0xFFFFE000;
	s22 =	simm.s32 @p1 $0x0  }
0x19: {  	[tilespmem:s23], [sflag:$0x1] =	stream.indirect.gather @p1 [hbm4b:s4+s25], $0x40, s22, s25, $0xb8;
	[tilespmem:$0xE400] =	vst v63  }
0x1a: {  	_ =	swait.ge @p1 [sflag:s24], $0x2000  }
0x1b: {  	s22 =	simm.s32 @p1 $0x7;
	[sflag:s24] =	ssyncset.done @p1 $0x0  }
0x1c: {  	s23 =	simm.s32 @p1 $0x80;
	[sflag:s24] =	ssyncadd.s32 @p1 $0xFFFFE000;
	s24 =	simm.s32 @p1 $0x8400  }
0x1d: {  	[tilespmem:s24], [sflag:$0x2] =	stream.indirect.gather @p1 [hbm4b:s4+s25], $0x40, s23, s25, $0xb8;
	[tilespmem:$0xE400] =	vst v63  }
0x1e: {  	_ =	swait.ge @p1 [sflag:s22], $0x2000  }
0x1f: {  	s23 =	simm.s32 $0x100;
	[sflag:s22] =	ssyncset.done @p1 $0x0  }
0x20: {  	s24 =	simm.s32 @p1 $0x8;
	[sflag:s22] =	ssyncadd.s32 @p1 $0xFFFFE000;
	s22 =	simm.s32 @p1 $0xA400  }
0x21: {  	[tilespmem:s22], [sflag:$0x3] =	stream.indirect.gather @p1 [hbm4b:s4+s25], $0x40, s23, s25, $0xb8;
	[tilespmem:$0xE400] =	vst v63  }
0x22: {  	_ =	swait.ge @p1 [sflag:s24], $0x2000  }
0x23: {  	s22 =	simm.s32 @!p1 $0x6400;
	[sflag:s24] =	ssyncset.done @p1 $0x0  }
0x24: {  	s23 =	simm.s32 @!p1 $0x80;
	[sflag:s24] =	ssyncadd.s32 @p1 $0xFFFFE000;
	s24 =	simm.s32 @!p1 $0x0  }
0x25: {  	[tilespmem:s22], [sflag:$0x1] =	stream.indirect.gather @!p1 [hbm4b:s4+s23], $0x40, s24, s23, $0xb8;
	[tilespmem:$0xE400] =	vst v63  }
0x26: {  	s22 =	simm.s32 @!p1 $0x8400  }
0x27: {  	[tilespmem:s22], [sflag:$0x2] =	stream.indirect.gather @!p1 [hbm4b:s4+s23], $0x40, s23, s23, $0xb8;
	[tilespmem:$0xE400] =	vst v63  }
0x28: {  	s25 =	simm.s32 $0x180;
	s24 =	simm.s32 @!p1 $0xA400;
	s22 =	simm.s32 @!p1 $0x100  }
0x29: {  	[tilespmem:s24], [sflag:$0x3] =	stream.indirect.gather @!p1 [hbm4b:s4+s23], $0x40, s22, s23, $0xb8;
	[tilespmem:$0xE400] =	vst v63  }
0x2a: {  	s25 =	simm.s32 @!p1 $0x180;
	s23 =	simm.s32 @p0 $0x80;
	s24 =	simm.s32 @p0 $0x100  }
0x2b: {  	s22 =	simm.s32 $0x380;
	s23 =	simm.s32 @!p0 $0x80;
	s24 =	simm.s32 @!p0 $0x100  }
0x2c: {  	[tilespmem:s11], [sflag:$0x4] =	stream.indirect.gather [hbm4b:s4+s10], $0x40, s25, s10, $0xb8;
	[tilespmem:$0xE400] =	vst v63  }
0x2d: {  	p0 =	por $0x1, $0x1;
	s23 =	sadd.s32 s5, s23;
	s24 =	sadd.s32 s5, s24  }
0x2e: {  	s30 =	simm.s32 @p0 $0x280;
	s25 =	sadd.s32 s5, s25;
	_ =	swait.ge [sflag:s12], $0x2000  }
0x2f: {  	s23 =	sshll.u32 s23, $0x4;
	s24 =	sshll.u32 s24, $0x4;
	s30 =	simm.s32 @!p0 $0x80  }
0x30: {  	s25 =	sshll.u32 s25, $0x4;
	s26 =	rddreg [dreg:$0x4];
	[sflag:s12] =	ssyncset.done $0x0  }
0x31: {  	s23 =	sand.u32 $0x1FFFE800, s23;
	s28 =	sand.u32 $0x1FFFF000, s24;
	[sflag:s12] =	ssyncadd.s32 $0xFFFFE000  }
0x32: {  	[hbm4b:s8+s13] =	stream.strided.scatter [tilespmem:s26], [sflag:$0x5], $0x2000, s10, s13, $0x38;
	[tilespmem:$0xE400] =	vst v63  }
0x33: {  	s24 =	simm.s32 @p0 $0x300;
	s30 =	sadd.s32 s5, s30;
	_ =	swait.ge [sflag:s14], $0x2000  }
0x34: {  	s24 =	simm.s32 @!p0 $0x100;
	s23 =	sadd.s32 s1, s23;
	[sflag:s14] =	ssyncset.done $0x0  }
0x35: {  	s28 =	sadd.s32 s1, s28;
	s29 =	rddreg [dreg:$0x5];
	[sflag:s14] =	ssyncadd.s32 $0xFFFFE000  }
0x36: {  	[hbm4b:s23+s13] =	stream.strided.scatter [tilespmem:s29], [sflag:$0x6], $0x2000, s10, s13, $0x38;
	[tilespmem:$0xE400] =	vst v63  }
0x37: {  	p0 =	por p0, p0;
	s26 =	simm.s32 $0x580;
	_ =	swait.ge [sflag:s15], $0x2000  }
0x38: {  	s24 =	sadd.s32 s5, s24;
	s23 =	sshll.u32 s30, $0x4;
	[sflag:s15] =	ssyncset.done $0x0  }
0x39: {  	s29 =	sshll.u32 s24, $0x4;
	s31 =	rddreg [dreg:$0x6];
	[sflag:s15] =	ssyncadd.s32 $0xFFFFE000  }
0x3a: {  	[hbm4b:s28+s13] =	stream.strided.scatter [tilespmem:s31], [sflag:$0x7], $0x2000, s10, s13, $0x38;
	[tilespmem:$0xE400] =	vst v63  }
0x3b: {  	s24 =	sand.u32 $0x1FFFE800, s23;
	s23 =	sand.u32 $0x1FFFF000, s29;
	_ =	swait.ge [sflag:s16], $0x2000  }
0x3c: {  	s28 =	sand.u32 $0x1FFFF800, s25;
	s25 =	sadd.s32 $0x2000, s8;
	[sflag:s16] =	ssyncset.done $0x0  }
0x3d: {  	s29 =	sadd.s32 s1, s28;
	s28 =	simm.s32 $0x300;
	[sflag:s16] =	ssyncadd.s32 $0xFFFFE000  }
.LBB2_2:
0x3e: {  	[hbm4b:s29+s13] =	stream.strided.scatter [tilespmem:s11], [sflag:$0x8], $0x2000, s10, s13, $0x38;
	[tilespmem:$0xE400] =	vst v63  }
0x3f: {  	s29 =	smov.u32 s26;
	s30 =	simm.s32 @p0 $0x5  }
0x40: {  	s2 =	simm.s32 @p0 $0x6400;
	s3 =	simm.s32 @p0 $0x6;
	_ =	swait.ge @p0 [sflag:s30], $0x2000  }
0x41: {  	s6 =	simm.s32 @p0 $0x80;
	p2 =	sne.s32 s29, $0x180;
	[sflag:s30] =	ssyncset.done @p0 $0x0  }
0x42: {  	s31 =	sadd.s32 @p2 $0xFFFFFF00, s29;
	[sflag:s30] =	ssyncadd.s32 @p0 $0xFFFFE000;
	s30 =	sadd.s32 @p0 $0xFFFFFF00, s28  }
0x43: {  	[tilespmem:s2], [sflag:$0x1] =	stream.indirect.gather @p0 [hbm4b:s4+s6], $0x40, s30, s6, $0xb8;
	[tilespmem:$0xE400] =	vst v63  }
0x44: {  	s0 =	sadd.s32 @p2 $0xFFFFFF80, s29;
	s31 =	simm.s32 @!p2 $0x80;
	_ =	swait.ge @p0 [sflag:s3], $0x2000  }
0x45: {  	s2 =	sadd.s32 s5, s31;
	s30 =	simm.s32 @p0 $0x7;
	[sflag:s3] =	ssyncset.done @p0 $0x0  }
0x46: {  	s31 =	simm.s32 @p0 $0x8400;
	[sflag:s3] =	ssyncadd.s32 @p0 $0xFFFFE000;
	s3 =	sadd.s32 @p0 $0xFFFFFF80, s28  }
0x47: {  	[tilespmem:s31], [sflag:$0x2] =	stream.indirect.gather @p0 [hbm4b:s4+s6], $0x40, s3, s6, $0xb8;
	[tilespmem:$0xE400] =	vst v63  }
0x48: {  	s0 =	simm.s32 @!p2 $0x100;
	_ =	swait.ge @p0 [sflag:s30], $0x2000  }
0x49: {  	s0 =	sadd.s32 s5, s0;
	[sflag:s30] =	ssyncset.done @p0 $0x0  }
0x4a: {  	s3 =	simm.s32 @p0 $0xA400;
	s31 =	simm.s32 @p0 $0x8;
	[sflag:s30] =	ssyncadd.s32 @p0 $0xFFFFE000  }
0x4b: {  	[tilespmem:s3], [sflag:$0x3] =	stream.indirect.gather @p0 [hbm4b:s4+s6], $0x40, s28, s6, $0xb8;
	[tilespmem:$0xE400] =	vst v63  }
0x4c: {  	s0 =	sshll.u32 s0, $0x4;
	_ =	swait.ge @p0 [sflag:s31], $0x2000  }
0x4d: {  	s30 =	sand.u32 $0x1FFFF000, s0;
	s0 =	simm.s32 @!p0 $0x6400;
	[sflag:s31] =	ssyncset.done @p0 $0x0  }
0x4e: {  	s3 =	simm.s32 @!p0 $0x80;
	s6 =	simm.s32 @!p0 $0x0;
	[sflag:s31] =	ssyncadd.s32 @p0 $0xFFFFE000  }
0x4f: {  	[tilespmem:s0], [sflag:$0x1] =	stream.indirect.gather @!p0 [hbm4b:s4+s3], $0x40, s6, s3, $0xb8;
	[tilespmem:$0xE400] =	vst v63  }
0x50: {  	s0 =	simm.s32 @!p0 $0x8400  }
0x51: {  	[tilespmem:s0], [sflag:$0x2] =	stream.indirect.gather @!p0 [hbm4b:s4+s3], $0x40, s3, s3, $0xb8;
	[tilespmem:$0xE400] =	vst v63  }
0x52: {  	s6 =	simm.s32 @!p0 $0xA400;
	s0 =	simm.s32 @!p0 $0x100  }
0x53: {  	[tilespmem:s6], [sflag:$0x3] =	stream.indirect.gather @!p0 [hbm4b:s4+s3], $0x40, s0, s3, $0xb8;
	[tilespmem:$0xE400] =	vst v63  }
0x54: {  	s0 =	smov.u32 s22  }
0x55: {  	s0 =	simm.s32 @!p0 $0x180  }
0x56: {  	[tilespmem:s11], [sflag:$0x4] =	stream.indirect.gather [hbm4b:s4+s10], $0x40, s0, s10, $0xb8;
	[tilespmem:$0xE400] =	vst v63  }
0x57: {  	_ =	swait.ge [sflag:s12], $0x2000  }
0x58: {  	[sflag:s12] =	ssyncset.done $0x0  }
0x59: {  	s26 =	sadd.s32 $0x200, s26;
	s31 =	rddreg [dreg:$0x4];
	[sflag:s12] =	ssyncadd.s32 $0xFFFFE000  }
0x5a: {  	[hbm4b:s25+s13] =	stream.strided.scatter [tilespmem:s31], [sflag:$0x5], $0x2000, s10, s13, $0x38;
	[tilespmem:$0xE400] =	vst v63  }
0x5b: {  	p1 =	sne.s32 s26, $0x6580;
	s2 =	sshll.u32 s2, $0x4;
	_ =	swait.ge [sflag:s14], $0x2000  }
0x5c: {  	s2 =	sand.u32 $0x1FFFE800, s2;
	s28 =	sadd.s32 $0x200, s28;
	[sflag:s14] =	ssyncset.done $0x0  }
0x5d: {  	s31 =	sadd.s32 s1, s24;
	s6 =	rddreg [dreg:$0x5];
	[sflag:s14] =	ssyncadd.s32 $0xFFFFE000  }
0x5e: {  	[hbm4b:s31+s13] =	stream.strided.scatter [tilespmem:s6], [sflag:$0x6], $0x2000, s10, s13, $0x38;
	[tilespmem:$0xE400] =	vst v63  }
0x5f: {  	s22 =	smov.u32 s29;
	s0 =	sadd.s32 s5, s0;
	_ =	swait.ge [sflag:s15], $0x2000  }
0x60: {  	s0 =	sshll.u32 s0, $0x4;
	s31 =	sadd.s32 s1, s23;
	[sflag:s15] =	ssyncset.done $0x0  }
.Ltmp0:
0x61: {  	s6 =	rddreg [dreg:$0x6];
	[sflag:s15] =	ssyncadd.s32 $0xFFFFE000;
	(pc) =	sbr.rel @p1 .LBB2_2-.Ltmp0, $4  }
0x62: {  	[hbm4b:s31+s13] =	stream.strided.scatter [tilespmem:s6], [sflag:$0x7], $0x2000, s10, s13, $0x38;
	[tilespmem:$0xE400] =	vst v63  }
0x63: {  	p0 =	por p2, p2;
	s0 =	sand.u32 $0x1FFFF800, s0;
	_ =	swait.ge [sflag:s16], $0x2000  }
0x64: {  	s29 =	sadd.s32 s1, s0;
	s24 =	smov.u32 s2;
	[sflag:s16] =	ssyncset.done $0x0  }
0x65: {  	s25 =	sadd.s32 $0x2000, s25;
	s23 =	smov.u32 s30;
	[sflag:s16] =	ssyncadd.s32 $0xFFFFE000  }
0x66: {  	[hbm4b:s29+s13] =	stream.strided.scatter [tilespmem:s11], [sflag:$0x8], $0x2000, s10, s13, $0x38;
	[tilespmem:$0xE400] =	vst v63  }
0x67: {  	s0 =	simm.s32 @p0 $0x5  }
0x68: {  	_ =	swait.ge @p0 [sflag:s0], $0x2000  }
0x69: {  	s2 =	simm.s32 @p0 $0x6400;
	s3 =	simm.s32 @p0 $0x6;
	[sflag:s0] =	ssyncset.done @p0 $0x0  }
0x6a: {  	s6 =	simm.s32 @p0 $0x80;
	[sflag:s0] =	ssyncadd.s32 @p0 $0xFFFFE000;
	s0 =	sadd.s32 @p0 $0xFFFFFF00, s28  }
0x6b: {  	[tilespmem:s2], [sflag:$0x1] =	stream.indirect.gather @p0 [hbm4b:s4+s6], $0x40, s0, s6, $0xb8;
	[tilespmem:$0xE400] =	vst v63  }
0x6c: {  	_ =	swait.ge @p0 [sflag:s3], $0x2000  }
0x6d: {  	s0 =	simm.s32 @p0 $0x7;
	[sflag:s3] =	ssyncset.done @p0 $0x0  }
0x6e: {  	s2 =	sadd.s32 @p0 $0xFFFFFF80, s28;
	[sflag:s3] =	ssyncadd.s32 @p0 $0xFFFFE000;
	s3 =	simm.s32 @p0 $0x8400  }
0x6f: {  	[tilespmem:s3], [sflag:$0x2] =	stream.indirect.gather @p0 [hbm4b:s4+s6], $0x40, s2, s6, $0xb8;
	[tilespmem:$0xE400] =	vst v63  }
0x70: {  	_ =	swait.ge @p0 [sflag:s0], $0x2000  }
0x71: {  	[sflag:s0] =	ssyncset.done @p0 $0x0  }
0x72: {  	s2 =	simm.s32 @p0 $0x8;
	[sflag:s0] =	ssyncadd.s32 @p0 $0xFFFFE000;
	s0 =	simm.s32 @p0 $0xA400  }
0x73: {  	[tilespmem:s0], [sflag:$0x3] =	stream.indirect.gather @p0 [hbm4b:s4+s6], $0x40, s28, s6, $0xb8;
	[tilespmem:$0xE400] =	vst v63  }
0x74: {  	_ =	swait.ge @p0 [sflag:s2], $0x2000  }
0x75: {  	s3 =	simm.s32 @!p0 $0x0;
	[sflag:s2] =	ssyncset.done @p0 $0x0  }
0x76: {  	s0 =	simm.s32 @!p0 $0x6400;
	[sflag:s2] =	ssyncadd.s32 @p0 $0xFFFFE000;
	s2 =	simm.s32 @!p0 $0x80  }
0x77: {  	[tilespmem:s0], [sflag:$0x1] =	stream.indirect.gather @!p0 [hbm4b:s4+s2], $0x40, s3, s2, $0xb8;
	[tilespmem:$0xE400] =	vst v63  }
0x78: {  	s0 =	simm.s32 @!p0 $0x8400  }
0x79: {  	[tilespmem:s0], [sflag:$0x2] =	stream.indirect.gather @!p0 [hbm4b:s4+s2], $0x40, s2, s2, $0xb8;
	[tilespmem:$0xE400] =	vst v63  }
0x7a: {  	s3 =	simm.s32 @!p0 $0xA400;
	s0 =	simm.s32 @!p0 $0x100  }
0x7b: {  	[tilespmem:s3], [sflag:$0x3] =	stream.indirect.gather @!p0 [hbm4b:s4+s2], $0x40, s0, s2, $0xb8;
	[tilespmem:$0xE400] =	vst v63  }
0x7c: {  	s22 =	simm.s32 @!p0 $0x180  }
0x7d: {  	[tilespmem:s11], [sflag:$0x4] =	stream.indirect.gather [hbm4b:s4+s10], $0x40, s22, s10, $0xb8;
	[tilespmem:$0xE400] =	vst v63  }
0x7e: {  	_ =	swait.ge [sflag:s12], $0x2000  }
0x7f: {  	[sflag:s12] =	ssyncset.done $0x0  }
0x80: {  	s6 =	rddreg [dreg:$0x4];
	[sflag:s12] =	ssyncadd.s32 $0xFFFFE000  }
0x81: {  	[hbm4b:s25+s13] =	stream.strided.scatter [tilespmem:s6], [sflag:$0x5], $0x2000, s10, s13, $0x38;
	[tilespmem:$0xE400] =	vst v63  }
0x82: {  	_ =	swait.ge [sflag:s14], $0x2000  }
0x83: {  	[sflag:s14] =	ssyncset.done $0x0  }
0x84: {  	s26 =	sadd.s32 s1, s24;
	s25 =	rddreg [dreg:$0x5];
	[sflag:s14] =	ssyncadd.s32 $0xFFFFE000  }
0x85: {  	[hbm4b:s26+s13] =	stream.strided.scatter [tilespmem:s25], [sflag:$0x6], $0x2000, s10, s13, $0x38;
	[tilespmem:$0xE400] =	vst v63  }
0x86: {  	_ =	swait.ge [sflag:s15], $0x2000  }
0x87: {  	s30 =	sadd.s32 s1, s23;
	[sflag:s15] =	ssyncset.done $0x0  }
0x88: {  	s29 =	sadd.s32 s5, s22;
	s28 =	rddreg [dreg:$0x6];
	[sflag:s15] =	ssyncadd.s32 $0xFFFFE000  }
0x89: {  	[hbm4b:s30+s13] =	stream.strided.scatter [tilespmem:s28], [sflag:$0x7], $0x2000, s10, s13, $0x38;
	[tilespmem:$0xE400] =	vst v63  }
0x8a: {  	s31 =	sshll.u32 s29, $0x4;
	_ =	swait.ge [sflag:s16], $0x2000  }
0x8b: {  	s0 =	sand.u32 $0x1FFFF800, s31;
	[sflag:s16] =	ssyncset.done $0x0  }
0x8c: {  	s0 =	sadd.s32 s1, s0;
	[sflag:s16] =	ssyncadd.s32 $0xFFFFE000  }
0x8d: {  	[hbm4b:s0+s13] =	stream.strided.scatter [tilespmem:s11], [sflag:$0x8], $0x2000, s10, s13, $0x38;
	[tilespmem:$0xE400] =	vst v63  }
0x8e: {  	_ =	swait.ge [sflag:s17], $0x2000  }
0x8f: {  	[sflag:s17] =	ssyncset.done $0x0  }
0x90: {  	[sflag:s17] =	ssyncadd.s32 $0xFFFFE000  }
0x91: {  	_ =	swait.ge [sflag:s18], $0x2000  }
0x92: {  	[sflag:s18] =	ssyncset.done $0x0  }
0x93: {  	s21 =	sadd.s32 $0x1, s21;
	[sflag:s18] =	ssyncadd.s32 $0xFFFFE000  }
0x94: {  	p0 =	sne.s32 s21, s7;
	_ =	swait.ge [sflag:s19], $0x2000  }
.Ltmp1:
0x95: {  	[sflag:s19] =	ssyncset.done $0x0;
	(pc) =	sbr.rel @p0 .LBB2_1-.Ltmp1, $4  }
0x96: {  	[sflag:s19] =	ssyncadd.s32 $0xFFFFE000  }
0x97: {  	_ =	swait.ge [sflag:s20], $0x2000  }
0x98: {  	[sflag:s20] =	ssyncset.done $0x0  }
0x99: {  	[sflag:s20] =	ssyncadd.s32 $0xFFFFE000  }
0x9a: {  	_ =	sfence.sel $0x180000  }
0x9b: {  	[bflag:$0x0] =	sbarrier.arrive $0xFFFF  }
0x9c: {  	_ =	strace $0x90000047  }
0x9d: {  	s0 =	stileid.u32;
	[bflag:$0x2] =	sbarrier.arrive $0xFFFF  }
0x9e: {  	p0 =	sne.s32 s0, $0x0;
	s0 =	rddreg [dreg:$0x3]  }
0x9f: {  	s0 =	sadd.s32 @!p0 $0x100000, s0  }
0xa0: {  	[sflag:s0] =	ssyncadd.tile.s32 @!p0 $0x1;
	_ =	shalt  }
.Lfunc_end2:
_tile_overlayer_lowered:
.L_overlay_start_2:
0xa1: {  	(tag) =	ssettag $0x2  }
0xa2: {  	s0 =	rddreg [dreg:$0x0];
	s2 =	stileid.u32  }
0xa3: {  	s1 =	rddreg [dreg:$0x1];
	p0 =	sne.s32 s2, $0x0  }
0xa4: {  	s3 =	rddreg [dreg:$0x2];
	[bflag:$0x3] =	sbarrier.arrive $0xFFFF;
	s2 =	simm.s32 @!p0 $0x1C09  }
0xa5: {  	[timem:s3], [sflag:s2] =	dma.local @!p0 [hbm:s0], s1  }
0xa6: {  	s0 =	simm.s32 @!p0 $0x9  }
0xa7: {  	_ =	swait.ge @!p0 [sflag:s0], s1  }
0xa8: {  	s1 =	ssub.s32 @!p0 $0x0, s1;
	[sflag:s0] =	ssyncset.done @!p0 $0x0  }
0xa9: {  	[sflag:s0] =	ssyncadd.s32 @!p0 s1  }
0xaa: {  	[bflag:$0x3] =	sbarrier.arrive $0xFFFF  }
0xab: {  	_ =	shalt  }

</sc_bundles>
